<compile_context>
chip_gen: v7x
topology: tpu7x:2x2x1
jax: 0.10.2.dev20260603
libtpu: 0.0.44.dev20260713+nightly
codegen_flags: <defaults>
</compile_context>

<pallas_src>
import functools

import jax
import jax.numpy as jnp
from jax import lax
from jax.experimental import pallas as pl
from jax.experimental.pallas import tpu as pltpu
from jax.experimental.pallas import tpu_sc as plsc

_THRESH = 1.0
_LANES = 16

_NC, _NS = 2, 16
_NW = _NC * _NS

_TILE_MINOR = 128


def _make_kernel(B, L, H, N):
    planes_per_w = (L * H) // _NW
    n_vecs = B // _LANES
    half1 = ((N // _TILE_MINOR) // 2) * _TILE_MINOR
    half2 = N - half1
    mesh = plsc.VectorSubcoreMesh(core_axis_name="c", subcore_axis_name="s")

    @functools.partial(
        pl.kernel,
        mesh=mesh,
        out_type=jax.ShapeDtypeStruct((L, H, B), jnp.float32),
        scratch_types=[
            pltpu.VMEM((B,), jnp.int32),
            pltpu.VMEM((half1,), jnp.float32),
            pltpu.VMEM((half2,), jnp.float32),
            pltpu.VMEM((B,), jnp.float32),
            pltpu.VMEM((B,), jnp.float32),
            pltpu.SemaphoreType.DMA,
            pltpu.SemaphoreType.DMA,
            pltpu.SemaphoreType.DMA,
        ],
        compiler_params=pltpu.CompilerParams(needs_layout_passes=False),
    )
    def mask_mul(x_hbm, tab_hbm, idx_hbm, out_hbm, idx_v, buf_a, buf_b, x_v, o_v,
                 sem_a, sem_b, sem_x):
        wid = lax.axis_index("s") * _NC + lax.axis_index("c")
        p0 = wid * planes_per_w

        def copy_a(p):
            return pltpu.make_async_copy(
                tab_hbm.at[p // H, p % H, pl.ds(0, half1)], buf_a, sem_a)

        def copy_b(p):
            return pltpu.make_async_copy(
                tab_hbm.at[p // H, p % H, pl.ds(half1, half2)], buf_b, sem_b)

        def copy_x(p):
            return pltpu.make_async_copy(x_hbm.at[p // H, p % H], x_v, sem_x)

        copy_a(p0).start()
        copy_b(p0).start()
        copy_x(p0).start()
        pltpu.sync_copy(idx_hbm, idx_v)

        def plane_body(k, carry):
            p = p0 + k
            copy_a(p).wait()
            copy_x(p).wait()

            def vec_a(i, c2):
                for u in range(4):
                    sl = pl.ds((i * 4 + u) * _LANES, _LANES)
                    iv = idx_v[sl]
                    m = iv < half1
                    ivc = jnp.where(m, iv, 0)
                    e = plsc.load_gather(buf_a, [ivc])
                    xv = x_v[sl]
                    o_v[sl] = jnp.where(m & (e <= _THRESH), xv, 0.0)
                return c2

            lax.fori_loop(0, n_vecs // 4, vec_a, 0)

            @pl.when(k < planes_per_w - 1)
            def _():
                copy_a(p + 1).start()

            copy_b(p).wait()

            def vec_b(i, c2):
                for u in range(4):
                    sl = pl.ds((i * 4 + u) * _LANES, _LANES)
                    iv = idx_v[sl]
                    m = iv >= half1
                    ivc = jnp.where(m, iv - half1, 0)
                    e = plsc.load_gather(buf_b, [ivc])
                    xv = x_v[sl]
                    o_v[sl] = o_v[sl] + jnp.where(m & (e <= _THRESH), xv, 0.0)
                return c2

            lax.fori_loop(0, n_vecs // 4, vec_b, 0)

            @pl.when(k < planes_per_w - 1)
            def _():
                copy_b(p + 1).start()
                copy_x(p + 1).start()

            pltpu.sync_copy(o_v, out_hbm.at[p // H, p % H])
            return carry

        lax.fori_loop(0, planes_per_w, plane_body, 0)

    return mask_mul


@jax.jit
def kernel(x, energy_local, batch_idx):
    B, L, H = x.shape
    N = energy_local.shape[0]
    x_t = x.transpose(1, 2, 0)
    tab_t = energy_local.transpose(1, 2, 0)
    idx = batch_idx.astype(jnp.int32)
    out_t = _make_kernel(B, L, H, N)(x_t, tab_t, idx)
    return out_t.transpose(2, 0, 1)

# --- scband reference (transcript-rebuilt; emitter-appended) ---
"""Pipeline reference for scband-local-mask-5686536699933 (READ-ONLY COPY).

The authoritative reference and input builder live on the scoring server;
editing this copy changes nothing except your own understanding.
"""

import jax, jax.numpy as jnp
import numpy as np

N_MOL = 100000
LOCAL_TARGET_LEN = 20
HIDDEN_DIM = 16
BATCH = 4096
ENERGY_THRESHOLD = 1.0


def setup_inputs(seed: int = 0) -> dict:
    key = jax.random.key(seed)
    k_x, k_tab, k_idx = jax.random.split(key, 3)
    x = jax.random.normal(k_x, (BATCH, LOCAL_TARGET_LEN, HIDDEN_DIM), dtype=jnp.float32)
    # Precomputed standardized per-atom energies (module buffer built from the QM h5 file
    # in the original code); standardized values ~ N(0,1), so threshold=1.0 keeps ~84%.
    energy_local = jax.random.normal(k_tab, (N_MOL, LOCAL_TARGET_LEN, HIDDEN_DIM), dtype=jnp.float32)
    batch_idx = jax.random.randint(k_idx, (BATCH,), 0, N_MOL, dtype=jnp.int64)
    return {"x": x, "energy_local": energy_local, "batch_idx": batch_idx}


def reference(x, energy_local, batch_idx):
    # get_bool_mask(batch_idx): gather precomputed energy rows, threshold them.
    gathered = jnp.take(energy_local, batch_idx, axis=0)  # [B, L, H]
    bool_mask = gathered <= ENERGY_THRESHOLD
    # mask_type == 'multiplicative': bool_to_multiplicative_mask then elementwise apply.
    mult_mask = bool_mask.astype(jnp.float32)
    out = x * mult_mask
    return out

if __name__ == "__main__":
    import jax
    _d = setup_inputs()
    print(jax.jit(kernel)(*tuple(_d.values())))

</pallas_src>

<mosaic_0001>
#map = affine_map<(d0, d1) -> (0, 0, 0)>
#map1 = affine_map<(d0, d1) -> (0)>
module attributes {stable_mosaic.version = 14 : i64} {
  func.func @mask_mul(%arg0: i32, %arg1: i32, %arg2: memref<20x16x4096xf32, #tpu.memory_space<hbm>>, %arg3: memref<20x16x100000xf32, #tpu.memory_space<hbm>>, %arg4: memref<4096xi32, #tpu.memory_space<hbm>>, %arg5: memref<20x16x4096xf32, #tpu.memory_space<hbm>>, %arg6: memref<4096xi32, #tpu.memory_space<vmem>>, %arg7: memref<49920xf32, #tpu.memory_space<vmem>>, %arg8: memref<50080xf32, #tpu.memory_space<vmem>>, %arg9: memref<4096xf32, #tpu.memory_space<vmem>>, %arg10: memref<4096xf32, #tpu.memory_space<vmem>>, %arg11: memref<!tpu.dma_semaphore, #tpu.memory_space<semaphore_mem>>, %arg12: memref<!tpu.dma_semaphore, #tpu.memory_space<semaphore_mem>>, %arg13: memref<!tpu.dma_semaphore, #tpu.memory_space<semaphore_mem>>) attributes {dimension_semantics = [#tpu.dimension_semantics<core_parallel>, #tpu.dimension_semantics<subcore_parallel>], iteration_bounds = array<i64: 2, 16>, scalar_prefetch = 0 : i64, scratch_operands = 8 : i64, tpu.core_type = #tpu.core_type<sc_vector_subcore>, window_params = [{transform_indices = #map}, {transform_indices = #map}, {transform_indices = #map1}, {transform_indices = #map}]} {
    %mul3A = arith.constant 2 : i32
    %mul3A_0 = arith.muli %arg1, %mul3A : i32
    %add3A = arith.addi %mul3A_0, %arg0 : i32
    %mul3A_1 = arith.constant 10 : i32
    %mul3A_2 = arith.muli %add3A, %mul3A_1 : i32
    %jit3A = arith.constant 16 : i32
    %div3A = arith.divsi %mul3A_2, %jit3A : i32
    %sign3A = arith.constant 0 : i32
    %sign3A_3 = arith.cmpi sgt, %mul3A_2, %sign3A : i32
    %sign3A_4 = arith.extui %sign3A_3 : i1 to i32
    %sign3A_5 = arith.constant 0 : i32
    %sign3A_6 = arith.cmpi slt, %mul3A_2, %sign3A_5 : i32
    %sign3A_7 = arith.extui %sign3A_6 : i1 to i32
    %sign3A_8 = arith.subi %sign3A_4, %sign3A_7 : i32
    %sign3A_9 = arith.constant 0 : i32
    %sign3A_10 = arith.cmpi sgt, %jit3A, %sign3A_9 : i32
    %sign3A_11 = arith.extui %sign3A_10 : i1 to i32
    %sign3A_12 = arith.constant 0 : i32
    %sign3A_13 = arith.cmpi slt, %jit3A, %sign3A_12 : i32
    %sign3A_14 = arith.extui %sign3A_13 : i1 to i32
    %sign3A_15 = arith.subi %sign3A_11, %sign3A_14 : i32
    %ne3A = arith.cmpi ne, %sign3A_8, %sign3A_15 : i32
    %rem3A = arith.remsi %mul3A_2, %jit3A : i32
    %ne3A_16 = arith.constant 0 : i32
    %ne3A_17 = arith.cmpi ne, %rem3A, %ne3A_16 : i32
    %and3A = arith.andi %ne3A, %ne3A_17 : i1
    %sub3A = arith.constant 1 : i32
    %sub3A_18 = arith.subi %div3A, %sub3A : i32
    %select_n3A = arith.select %and3A, %sub3A_18, %div3A : i32
    %jit3A_19 = arith.constant 16 : i32
    %eq3A = arith.constant 0 : i32
    %eq3A_20 = arith.cmpi eq, %jit3A_19, %eq3A : i32
    %jit3A_21 = arith.constant 1 : i32
    %select_n3A_22 = arith.select %eq3A_20, %jit3A_21, %jit3A_19 : i32
    %rem3A_23 = arith.remsi %mul3A_2, %select_n3A_22 : i32
    %ne3A_24 = arith.constant 0 : i32
    %ne3A_25 = arith.cmpi ne, %rem3A_23, %ne3A_24 : i32
    %lt3A = arith.constant 0 : i32
    %lt3A_26 = arith.cmpi slt, %rem3A_23, %lt3A : i32
    %lt3A_27 = arith.constant 0 : i32
    %lt3A_28 = arith.cmpi slt, %select_n3A_22, %lt3A_27 : i32
    %ne3A_29 = arith.xori %lt3A_26, %lt3A_28 : i1
    %and3A_30 = arith.andi %ne3A_29, %ne3A_25 : i1
    %add3A_31 = arith.addi %rem3A_23, %select_n3A_22 : i32
    %select_n3A_32 = arith.select %and3A_30, %add3A_31, %rem3A_23 : i32
    %dma_start3A = arith.constant 0 : i32
    %dma_start3A_33 = tpu.memref_slice %arg3[%select_n3A, %select_n3A_32, %dma_start3A] : memref<20x16x100000xf32, #tpu.memory_space<hbm>> -> memref<1x1x49920xf32, #tpu.memory_space<hbm>>
    %dma_start3A_34 = tpu.memref_squeeze %dma_start3A_33 : memref<1x1x49920xf32, #tpu.memory_space<hbm>> -> memref<49920xf32, #tpu.memory_space<hbm>>
    %dma_start3A_35 = arith.constant 0 : i32
    %dma_start3A_36 = tpu.memref_slice %arg3[%select_n3A, %select_n3A_32, %dma_start3A_35] : memref<20x16x100000xf32, #tpu.memory_space<hbm>> -> memref<1x1x49920xf32, #tpu.memory_space<hbm>>
    %dma_start3A_37 = tpu.memref_squeeze %dma_start3A_36 : memref<1x1x49920xf32, #tpu.memory_space<hbm>> -> memref<49920xf32, #tpu.memory_space<hbm>>
    tpu.enqueue_dma source(%dma_start3A_37 : memref<49920xf32, #tpu.memory_space<hbm>>) target(%arg7 : memref<49920xf32, #tpu.memory_space<vmem>>) target_semaphore(%arg11 : memref<!tpu.dma_semaphore, #tpu.memory_space<semaphore_mem>>)
    %jit3A_38 = arith.constant 16 : i32
    %div3A_39 = arith.divsi %mul3A_2, %jit3A_38 : i32
    %sign3A_40 = arith.constant 0 : i32
    %sign3A_41 = arith.cmpi sgt, %mul3A_2, %sign3A_40 : i32
    %sign3A_42 = arith.extui %sign3A_41 : i1 to i32
    %sign3A_43 = arith.constant 0 : i32
    %sign3A_44 = arith.cmpi slt, %mul3A_2, %sign3A_43 : i32
    %sign3A_45 = arith.extui %sign3A_44 : i1 to i32
    %sign3A_46 = arith.subi %sign3A_42, %sign3A_45 : i32
    %sign3A_47 = arith.constant 0 : i32
    %sign3A_48 = arith.cmpi sgt, %jit3A_38, %sign3A_47 : i32
    %sign3A_49 = arith.extui %sign3A_48 : i1 to i32
    %sign3A_50 = arith.constant 0 : i32
    %sign3A_51 = arith.cmpi slt, %jit3A_38, %sign3A_50 : i32
    %sign3A_52 = arith.extui %sign3A_51 : i1 to i32
    %sign3A_53 = arith.subi %sign3A_49, %sign3A_52 : i32
    %ne3A_54 = arith.cmpi ne, %sign3A_46, %sign3A_53 : i32
    %rem3A_55 = arith.remsi %mul3A_2, %jit3A_38 : i32
    %ne3A_56 = arith.constant 0 : i32
    %ne3A_57 = arith.cmpi ne, %rem3A_55, %ne3A_56 : i32
    %and3A_58 = arith.andi %ne3A_54, %ne3A_57 : i1
    %sub3A_59 = arith.constant 1 : i32
    %sub3A_60 = arith.subi %div3A_39, %sub3A_59 : i32
    %select_n3A_61 = arith.select %and3A_58, %sub3A_60, %div3A_39 : i32
    %jit3A_62 = arith.constant 16 : i32
    %eq3A_63 = arith.constant 0 : i32
    %eq3A_64 = arith.cmpi eq, %jit3A_62, %eq3A_63 : i32
    %jit3A_65 = arith.constant 1 : i32
    %select_n3A_66 = arith.select %eq3A_64, %jit3A_65, %jit3A_62 : i32
    %rem3A_67 = arith.remsi %mul3A_2, %select_n3A_66 : i32
    %ne3A_68 = arith.constant 0 : i32
    %ne3A_69 = arith.cmpi ne, %rem3A_67, %ne3A_68 : i32
    %lt3A_70 = arith.constant 0 : i32
    %lt3A_71 = arith.cmpi slt, %rem3A_67, %lt3A_70 : i32
    %lt3A_72 = arith.constant 0 : i32
    %lt3A_73 = arith.cmpi slt, %select_n3A_66, %lt3A_72 : i32
    %ne3A_74 = arith.xori %lt3A_71, %lt3A_73 : i1
    %and3A_75 = arith.andi %ne3A_74, %ne3A_69 : i1
    %add3A_76 = arith.addi %rem3A_67, %select_n3A_66 : i32
    %select_n3A_77 = arith.select %and3A_75, %add3A_76, %rem3A_67 : i32
    %dma_start3A_78 = arith.constant 49920 : i32
    %dma_start3A_79 = tpu.memref_slice %arg3[%select_n3A_61, %select_n3A_77, %dma_start3A_78] : memref<20x16x100000xf32, #tpu.memory_space<hbm>> -> memref<1x1x50080xf32, #tpu.memory_space<hbm>>
    %dma_start3A_80 = tpu.memref_squeeze %dma_start3A_79 : memref<1x1x50080xf32, #tpu.memory_space<hbm>> -> memref<50080xf32, #tpu.memory_space<hbm>>
    %dma_start3A_81 = arith.constant 49920 : i32
    %dma_start3A_82 = tpu.memref_slice %arg3[%select_n3A_61, %select_n3A_77, %dma_start3A_81] : memref<20x16x100000xf32, #tpu.memory_space<hbm>> -> memref<1x1x50080xf32, #tpu.memory_space<hbm>>
    %dma_start3A_83 = tpu.memref_squeeze %dma_start3A_82 : memref<1x1x50080xf32, #tpu.memory_space<hbm>> -> memref<50080xf32, #tpu.memory_space<hbm>>
    tpu.enqueue_dma source(%dma_start3A_83 : memref<50080xf32, #tpu.memory_space<hbm>>) target(%arg8 : memref<50080xf32, #tpu.memory_space<vmem>>) target_semaphore(%arg12 : memref<!tpu.dma_semaphore, #tpu.memory_space<semaphore_mem>>)
    %jit3A_84 = arith.constant 16 : i32
    %div3A_85 = arith.divsi %mul3A_2, %jit3A_84 : i32
    %sign3A_86 = arith.constant 0 : i32
    %sign3A_87 = arith.cmpi sgt, %mul3A_2, %sign3A_86 : i32
    %sign3A_88 = arith.extui %sign3A_87 : i1 to i32
    %sign3A_89 = arith.constant 0 : i32
    %sign3A_90 = arith.cmpi slt, %mul3A_2, %sign3A_89 : i32
    %sign3A_91 = arith.extui %sign3A_90 : i1 to i32
    %sign3A_92 = arith.subi %sign3A_88, %sign3A_91 : i32
    %sign3A_93 = arith.constant 0 : i32
    %sign3A_94 = arith.cmpi sgt, %jit3A_84, %sign3A_93 : i32
    %sign3A_95 = arith.extui %sign3A_94 : i1 to i32
    %sign3A_96 = arith.constant 0 : i32
    %sign3A_97 = arith.cmpi slt, %jit3A_84, %sign3A_96 : i32
    %sign3A_98 = arith.extui %sign3A_97 : i1 to i32
    %sign3A_99 = arith.subi %sign3A_95, %sign3A_98 : i32
    %ne3A_100 = arith.cmpi ne, %sign3A_92, %sign3A_99 : i32
    %rem3A_101 = arith.remsi %mul3A_2, %jit3A_84 : i32
    %ne3A_102 = arith.constant 0 : i32
    %ne3A_103 = arith.cmpi ne, %rem3A_101, %ne3A_102 : i32
    %and3A_104 = arith.andi %ne3A_100, %ne3A_103 : i1
    %sub3A_105 = arith.constant 1 : i32
    %sub3A_106 = arith.subi %div3A_85, %sub3A_105 : i32
    %select_n3A_107 = arith.select %and3A_104, %sub3A_106, %div3A_85 : i32
    %jit3A_108 = arith.constant 16 : i32
    %eq3A_109 = arith.constant 0 : i32
    %eq3A_110 = arith.cmpi eq, %jit3A_108, %eq3A_109 : i32
    %jit3A_111 = arith.constant 1 : i32
    %select_n3A_112 = arith.select %eq3A_110, %jit3A_111, %jit3A_108 : i32
    %rem3A_113 = arith.remsi %mul3A_2, %select_n3A_112 : i32
    %ne3A_114 = arith.constant 0 : i32
    %ne3A_115 = arith.cmpi ne, %rem3A_113, %ne3A_114 : i32
    %lt3A_116 = arith.constant 0 : i32
    %lt3A_117 = arith.cmpi slt, %rem3A_113, %lt3A_116 : i32
    %lt3A_118 = arith.constant 0 : i32
    %lt3A_119 = arith.cmpi slt, %select_n3A_112, %lt3A_118 : i32
    %ne3A_120 = arith.xori %lt3A_117, %lt3A_119 : i1
    %and3A_121 = arith.andi %ne3A_120, %ne3A_115 : i1
    %add3A_122 = arith.addi %rem3A_113, %select_n3A_112 : i32
    %select_n3A_123 = arith.select %and3A_121, %add3A_122, %rem3A_113 : i32
    %dma_start3A_124 = arith.constant 0 : i32
    %dma_start3A_125 = tpu.memref_slice %arg2[%select_n3A_107, %select_n3A_123, %dma_start3A_124] : memref<20x16x4096xf32, #tpu.memory_space<hbm>> -> memref<1x1x4096xf32, #tpu.memory_space<hbm>>
    %dma_start3A_126 = tpu.memref_squeeze %dma_start3A_125 : memref<1x1x4096xf32, #tpu.memory_space<hbm>> -> memref<4096xf32, #tpu.memory_space<hbm>>
    %dma_start3A_127 = arith.constant 0 : i32
    %dma_start3A_128 = tpu.memref_slice %arg2[%select_n3A_107, %select_n3A_123, %dma_start3A_127] : memref<20x16x4096xf32, #tpu.memory_space<hbm>> -> memref<1x1x4096xf32, #tpu.memory_space<hbm>>
    %dma_start3A_129 = tpu.memref_squeeze %dma_start3A_128 : memref<1x1x4096xf32, #tpu.memory_space<hbm>> -> memref<4096xf32, #tpu.memory_space<hbm>>
    tpu.enqueue_dma source(%dma_start3A_129 : memref<4096xf32, #tpu.memory_space<hbm>>) target(%arg9 : memref<4096xf32, #tpu.memory_space<vmem>>) target_semaphore(%arg13 : memref<!tpu.dma_semaphore, #tpu.memory_space<semaphore_mem>>)
    "tpu.region"() ({
      %run_scoped3A = tpu.sem_alloc : memref<!tpu.dma_semaphore, #tpu.memory_space<semaphore_mem>>
      tpu.enqueue_dma source(%arg4 : memref<4096xi32, #tpu.memory_space<hbm>>) target(%arg6 : memref<4096xi32, #tpu.memory_space<vmem>>) target_semaphore(%run_scoped3A : memref<!tpu.dma_semaphore, #tpu.memory_space<semaphore_mem>>)
      tpu.wait_dma2 semaphore(%run_scoped3A : memref<!tpu.dma_semaphore, #tpu.memory_space<semaphore_mem>>) src(%arg4 : memref<4096xi32, #tpu.memory_space<hbm>>) dst(%arg6 : memref<4096xi32, #tpu.memory_space<vmem>>)
      tpu.yield
    }) : () -> ()
    %scan3A = arith.constant 0 : i32
    %scan3A_130 = arith.constant 0 : i32
    %scan3A_131 = arith.constant 10 : i32
    %scan3A_132 = arith.addi %scan3A_130, %scan3A_131 : i32
    %scan3A_133 = arith.constant 1 : i32
    scf.for %scan3A_135 = %scan3A_130 to %scan3A_132 step %scan3A_133  : i32 {
      %add3A_136 = arith.addi %mul3A_2, %scan3A_135 : i32
      %jit3A_137 = arith.constant 16 : i32
      %div3A_138 = arith.divsi %add3A_136, %jit3A_137 : i32
      %sign3A_139 = arith.constant 0 : i32
      %sign3A_140 = arith.cmpi sgt, %add3A_136, %sign3A_139 : i32
      %sign3A_141 = arith.extui %sign3A_140 : i1 to i32
      %sign3A_142 = arith.constant 0 : i32
      %sign3A_143 = arith.cmpi slt, %add3A_136, %sign3A_142 : i32
      %sign3A_144 = arith.extui %sign3A_143 : i1 to i32
      %sign3A_145 = arith.subi %sign3A_141, %sign3A_144 : i32
      %sign3A_146 = arith.constant 0 : i32
      %sign3A_147 = arith.cmpi sgt, %jit3A_137, %sign3A_146 : i32
      %sign3A_148 = arith.extui %sign3A_147 : i1 to i32
      %sign3A_149 = arith.constant 0 : i32
      %sign3A_150 = arith.cmpi slt, %jit3A_137, %sign3A_149 : i32
      %sign3A_151 = arith.extui %sign3A_150 : i1 to i32
      %sign3A_152 = arith.subi %sign3A_148, %sign3A_151 : i32
      %ne3A_153 = arith.cmpi ne, %sign3A_145, %sign3A_152 : i32
      %rem3A_154 = arith.remsi %add3A_136, %jit3A_137 : i32
      %ne3A_155 = arith.constant 0 : i32
      %ne3A_156 = arith.cmpi ne, %rem3A_154, %ne3A_155 : i32
      %and3A_157 = arith.andi %ne3A_153, %ne3A_156 : i1
      %sub3A_158 = arith.constant 1 : i32
      %sub3A_159 = arith.subi %div3A_138, %sub3A_158 : i32
      %select_n3A_160 = arith.select %and3A_157, %sub3A_159, %div3A_138 : i32
      %jit3A_161 = arith.constant 16 : i32
      %eq3A_162 = arith.constant 0 : i32
      %eq3A_163 = arith.cmpi eq, %jit3A_161, %eq3A_162 : i32
      %jit3A_164 = arith.constant 1 : i32
      %select_n3A_165 = arith.select %eq3A_163, %jit3A_164, %jit3A_161 : i32
      %rem3A_166 = arith.remsi %add3A_136, %select_n3A_165 : i32
      %ne3A_167 = arith.constant 0 : i32
      %ne3A_168 = arith.cmpi ne, %rem3A_166, %ne3A_167 : i32
      %lt3A_169 = arith.constant 0 : i32
      %lt3A_170 = arith.cmpi slt, %rem3A_166, %lt3A_169 : i32
      %lt3A_171 = arith.constant 0 : i32
      %lt3A_172 = arith.cmpi slt, %select_n3A_165, %lt3A_171 : i32
      %ne3A_173 = arith.xori %lt3A_170, %lt3A_172 : i1
      %and3A_174 = arith.andi %ne3A_173, %ne3A_168 : i1
      %add3A_175 = arith.addi %rem3A_166, %select_n3A_165 : i32
      %select_n3A_176 = arith.select %and3A_174, %add3A_175, %rem3A_166 : i32
      %dma_wait3A = arith.constant 0 : i32
      %dma_wait3A_177 = tpu.memref_slice %arg3[%select_n3A_160, %select_n3A_176, %dma_wait3A] : memref<20x16x100000xf32, #tpu.memory_space<hbm>> -> memref<1x1x49920xf32, #tpu.memory_space<hbm>>
      %dma_wait3A_178 = tpu.memref_squeeze %dma_wait3A_177 : memref<1x1x49920xf32, #tpu.memory_space<hbm>> -> memref<49920xf32, #tpu.memory_space<hbm>>
      %dma_wait3A_179 = arith.constant 0 : i32
      %dma_wait3A_180 = tpu.memref_slice %arg3[%select_n3A_160, %select_n3A_176, %dma_wait3A_179] : memref<20x16x100000xf32, #tpu.memory_space<hbm>> -> memref<1x1x49920xf32, #tpu.memory_space<hbm>>
      %dma_wait3A_181 = tpu.memref_squeeze %dma_wait3A_180 : memref<1x1x49920xf32, #tpu.memory_space<hbm>> -> memref<49920xf32, #tpu.memory_space<hbm>>
      tpu.wait_dma2 semaphore(%arg11 : memref<!tpu.dma_semaphore, #tpu.memory_space<semaphore_mem>>) src(%dma_wait3A_181 : memref<49920xf32, #tpu.memory_space<hbm>>) dst(%arg7 : memref<49920xf32, #tpu.memory_space<vmem>>)
      %jit3A_182 = arith.constant 16 : i32
      %div3A_183 = arith.divsi %add3A_136, %jit3A_182 : i32
      %sign3A_184 = arith.constant 0 : i32
      %sign3A_185 = arith.cmpi sgt, %add3A_136, %sign3A_184 : i32
      %sign3A_186 = arith.extui %sign3A_185 : i1 to i32
      %sign3A_187 = arith.constant 0 : i32
      %sign3A_188 = arith.cmpi slt, %add3A_136, %sign3A_187 : i32
      %sign3A_189 = arith.extui %sign3A_188 : i1 to i32
      %sign3A_190 = arith.subi %sign3A_186, %sign3A_189 : i32
      %sign3A_191 = arith.constant 0 : i32
      %sign3A_192 = arith.cmpi sgt, %jit3A_182, %sign3A_191 : i32
      %sign3A_193 = arith.extui %sign3A_192 : i1 to i32
      %sign3A_194 = arith.constant 0 : i32
      %sign3A_195 = arith.cmpi slt, %jit3A_182, %sign3A_194 : i32
      %sign3A_196 = arith.extui %sign3A_195 : i1 to i32
      %sign3A_197 = arith.subi %sign3A_193, %sign3A_196 : i32
      %ne3A_198 = arith.cmpi ne, %sign3A_190, %sign3A_197 : i32
      %rem3A_199 = arith.remsi %add3A_136, %jit3A_182 : i32
      %ne3A_200 = arith.constant 0 : i32
      %ne3A_201 = arith.cmpi ne, %rem3A_199, %ne3A_200 : i32
      %and3A_202 = arith.andi %ne3A_198, %ne3A_201 : i1
      %sub3A_203 = arith.constant 1 : i32
      %sub3A_204 = arith.subi %div3A_183, %sub3A_203 : i32
      %select_n3A_205 = arith.select %and3A_202, %sub3A_204, %div3A_183 : i32
      %jit3A_206 = arith.constant 16 : i32
      %eq3A_207 = arith.constant 0 : i32
      %eq3A_208 = arith.cmpi eq, %jit3A_206, %eq3A_207 : i32
      %jit3A_209 = arith.constant 1 : i32
      %select_n3A_210 = arith.select %eq3A_208, %jit3A_209, %jit3A_206 : i32
      %rem3A_211 = arith.remsi %add3A_136, %select_n3A_210 : i32
      %ne3A_212 = arith.constant 0 : i32
      %ne3A_213 = arith.cmpi ne, %rem3A_211, %ne3A_212 : i32
      %lt3A_214 = arith.constant 0 : i32
      %lt3A_215 = arith.cmpi slt, %rem3A_211, %lt3A_214 : i32
      %lt3A_216 = arith.constant 0 : i32
      %lt3A_217 = arith.cmpi slt, %select_n3A_210, %lt3A_216 : i32
      %ne3A_218 = arith.xori %lt3A_215, %lt3A_217 : i1
      %and3A_219 = arith.andi %ne3A_218, %ne3A_213 : i1
      %add3A_220 = arith.addi %rem3A_211, %select_n3A_210 : i32
      %select_n3A_221 = arith.select %and3A_219, %add3A_220, %rem3A_211 : i32
      %dma_wait3A_222 = arith.constant 0 : i32
      %dma_wait3A_223 = tpu.memref_slice %arg2[%select_n3A_205, %select_n3A_221, %dma_wait3A_222] : memref<20x16x4096xf32, #tpu.memory_space<hbm>> -> memref<1x1x4096xf32, #tpu.memory_space<hbm>>
      %dma_wait3A_224 = tpu.memref_squeeze %dma_wait3A_223 : memref<1x1x4096xf32, #tpu.memory_space<hbm>> -> memref<4096xf32, #tpu.memory_space<hbm>>
      %dma_wait3A_225 = arith.constant 0 : i32
      %dma_wait3A_226 = tpu.memref_slice %arg2[%select_n3A_205, %select_n3A_221, %dma_wait3A_225] : memref<20x16x4096xf32, #tpu.memory_space<hbm>> -> memref<1x1x4096xf32, #tpu.memory_space<hbm>>
      %dma_wait3A_227 = tpu.memref_squeeze %dma_wait3A_226 : memref<1x1x4096xf32, #tpu.memory_space<hbm>> -> memref<4096xf32, #tpu.memory_space<hbm>>
      tpu.wait_dma2 semaphore(%arg13 : memref<!tpu.dma_semaphore, #tpu.memory_space<semaphore_mem>>) src(%dma_wait3A_227 : memref<4096xf32, #tpu.memory_space<hbm>>) dst(%arg9 : memref<4096xf32, #tpu.memory_space<vmem>>)
      %scan3A_228 = arith.constant 0 : i32
      %scan3A_229 = arith.constant 0 : i32
      %scan3A_230 = arith.constant 64 : i32
      %scan3A_231 = arith.addi %scan3A_229, %scan3A_230 : i32
      %scan3A_232 = arith.constant 1 : i32
      scf.for %scan3A_334 = %scan3A_229 to %scan3A_231 step %scan3A_232  : i32 {
        %mul3A_335 = arith.constant 4 : i32
        %mul3A_336 = arith.muli %scan3A_334, %mul3A_335 : i32
        %add3A_337 = arith.constant 0 : i32
        %add3A_338 = arith.addi %mul3A_336, %add3A_337 : i32
        %mul3A_339 = arith.constant 16 : i32
        %mul3A_340 = arith.muli %add3A_338, %mul3A_339 : i32
        %get3A = arith.index_cast %mul3A_340 : i32 to index
        %get3A_341 = tpu.vector_load %arg6[%get3A] {strides = array<i32>} : memref<4096xi32, #tpu.memory_space<vmem>>, vector<16xi32>,
        %lt3A_342 = arith.constant 49920 : i32
        %lt3A_343 = vector.broadcast %lt3A_342 : i32 to vector<16xi32>
        %lt3A_344 = arith.cmpi slt, %get3A_341, %lt3A_343 : vector<16xi32>
        %jit3A_345 = arith.constant 0 : i32
        %broadcast_in_dim3A = vector.broadcast %jit3A_345 : i32 to vector<16xi32>
        %select_n3A_346 = arith.select %lt3A_344, %get3A_341, %broadcast_in_dim3A : vector<16xi1>, vector<16xi32>
        %gather3A = tpu.vector_load_idx %arg7[%select_n3A_346] : memref<49920xf32, #tpu.memory_space<vmem>>[vector<16xi32>], vector<16xf32>,
        %get3A_347 = arith.index_cast %mul3A_340 : i32 to index
        %get3A_348 = tpu.vector_load %arg9[%get3A_347] {strides = array<i32>} : memref<4096xf32, #tpu.memory_space<vmem>>, vector<16xf32>,
        %le3A = arith.constant 1.000000e+00 : f32
        %le3A_349 = vector.broadcast %le3A : f32 to vector<16xf32>
        %le3A_350 = arith.cmpf ole, %gather3A, %le3A_349 : vector<16xf32>
        %and3A_351 = arith.andi %lt3A_344, %le3A_350 : vector<16xi1>
        %jit3A_352 = arith.constant 0.000000e+00 : f32
        %broadcast_in_dim3A_353 = vector.broadcast %jit3A_352 : f32 to vector<16xf32>
        %select_n3A_354 = arith.select %and3A_351, %get3A_348, %broadcast_in_dim3A_353 : vector<16xi1>, vector<16xf32>
        %swap3A = arith.index_cast %mul3A_340 : i32 to index
        %swap3A_355 = tpu.vector_load %arg10[%swap3A] {strides = array<i32>} : memref<4096xf32, #tpu.memory_space<vmem>>, vector<16xf32>,
        tpu.vector_store %arg10[%swap3A], %select_n3A_354 {strides = array<i32>} : memref<4096xf32, #tpu.memory_space<vmem>>, vector<16xf32>,
        %mul3A_356 = arith.constant 4 : i32
        %mul3A_357 = arith.muli %scan3A_334, %mul3A_356 : i32
        %add3A_358 = arith.constant 1 : i32
        %add3A_359 = arith.addi %mul3A_357, %add3A_358 : i32
        %mul3A_360 = arith.constant 16 : i32
        %mul3A_361 = arith.muli %add3A_359, %mul3A_360 : i32
        %get3A_362 = arith.index_cast %mul3A_361 : i32 to index
        %get3A_363 = tpu.vector_load %arg6[%get3A_362] {strides = array<i32>} : memref<4096xi32, #tpu.memory_space<vmem>>, vector<16xi32>,
        %lt3A_364 = arith.constant 49920 : i32
        %lt3A_365 = vector.broadcast %lt3A_364 : i32 to vector<16xi32>
        %lt3A_366 = arith.cmpi slt, %get3A_363, %lt3A_365 : vector<16xi32>
        %jit3A_367 = arith.constant 0 : i32
        %broadcast_in_dim3A_368 = vector.broadcast %jit3A_367 : i32 to vector<16xi32>
        %select_n3A_369 = arith.select %lt3A_366, %get3A_363, %broadcast_in_dim3A_368 : vector<16xi1>, vector<16xi32>
        %gather3A_370 = tpu.vector_load_idx %arg7[%select_n3A_369] : memref<49920xf32, #tpu.memory_space<vmem>>[vector<16xi32>], vector<16xf32>,
        %get3A_371 = arith.index_cast %mul3A_361 : i32 to index
        %get3A_372 = tpu.vector_load %arg9[%get3A_371] {strides = array<i32>} : memref<4096xf32, #tpu.memory_space<vmem>>, vector<16xf32>,
        %le3A_373 = arith.constant 1.000000e+00 : f32
        %le3A_374 = vector.broadcast %le3A_373 : f32 to vector<16xf32>
        %le3A_375 = arith.cmpf ole, %gather3A_370, %le3A_374 : vector<16xf32>
        %and3A_376 = arith.andi %lt3A_366, %le3A_375 : vector<16xi1>
        %jit3A_377 = arith.constant 0.000000e+00 : f32
        %broadcast_in_dim3A_378 = vector.broadcast %jit3A_377 : f32 to vector<16xf32>
        %select_n3A_379 = arith.select %and3A_376, %get3A_372, %broadcast_in_dim3A_378 : vector<16xi1>, vector<16xf32>
        %swap3A_380 = arith.index_cast %mul3A_361 : i32 to index
        %swap3A_381 = tpu.vector_load %arg10[%swap3A_380] {strides = array<i32>} : memref<4096xf32, #tpu.memory_space<vmem>>, vector<16xf32>,
        tpu.vector_store %arg10[%swap3A_380], %select_n3A_379 {strides = array<i32>} : memref<4096xf32, #tpu.memory_space<vmem>>, vector<16xf32>,
        %mul3A_382 = arith.constant 4 : i32
        %mul3A_383 = arith.muli %scan3A_334, %mul3A_382 : i32
        %add3A_384 = arith.constant 2 : i32
        %add3A_385 = arith.addi %mul3A_383, %add3A_384 : i32
        %mul3A_386 = arith.constant 16 : i32
        %mul3A_387 = arith.muli %add3A_385, %mul3A_386 : i32
        %get3A_388 = arith.index_cast %mul3A_387 : i32 to index
        %get3A_389 = tpu.vector_load %arg6[%get3A_388] {strides = array<i32>} : memref<4096xi32, #tpu.memory_space<vmem>>, vector<16xi32>,
        %lt3A_390 = arith.constant 49920 : i32
        %lt3A_391 = vector.broadcast %lt3A_390 : i32 to vector<16xi32>
        %lt3A_392 = arith.cmpi slt, %get3A_389, %lt3A_391 : vector<16xi32>
        %jit3A_393 = arith.constant 0 : i32
        %broadcast_in_dim3A_394 = vector.broadcast %jit3A_393 : i32 to vector<16xi32>
        %select_n3A_395 = arith.select %lt3A_392, %get3A_389, %broadcast_in_dim3A_394 : vector<16xi1>, vector<16xi32>
        %gather3A_396 = tpu.vector_load_idx %arg7[%select_n3A_395] : memref<49920xf32, #tpu.memory_space<vmem>>[vector<16xi32>], vector<16xf32>,
        %get3A_397 = arith.index_cast %mul3A_387 : i32 to index
        %get3A_398 = tpu.vector_load %arg9[%get3A_397] {strides = array<i32>} : memref<4096xf32, #tpu.memory_space<vmem>>, vector<16xf32>,
        %le3A_399 = arith.constant 1.000000e+00 : f32
        %le3A_400 = vector.broadcast %le3A_399 : f32 to vector<16xf32>
        %le3A_401 = arith.cmpf ole, %gather3A_396, %le3A_400 : vector<16xf32>
        %and3A_402 = arith.andi %lt3A_392, %le3A_401 : vector<16xi1>
        %jit3A_403 = arith.constant 0.000000e+00 : f32
        %broadcast_in_dim3A_404 = vector.broadcast %jit3A_403 : f32 to vector<16xf32>
        %select_n3A_405 = arith.select %and3A_402, %get3A_398, %broadcast_in_dim3A_404 : vector<16xi1>, vector<16xf32>
        %swap3A_406 = arith.index_cast %mul3A_387 : i32 to index
        %swap3A_407 = tpu.vector_load %arg10[%swap3A_406] {strides = array<i32>} : memref<4096xf32, #tpu.memory_space<vmem>>, vector<16xf32>,
        tpu.vector_store %arg10[%swap3A_406], %select_n3A_405 {strides = array<i32>} : memref<4096xf32, #tpu.memory_space<vmem>>, vector<16xf32>,
        %mul3A_408 = arith.constant 4 : i32
        %mul3A_409 = arith.muli %scan3A_334, %mul3A_408 : i32
        %add3A_410 = arith.constant 3 : i32
        %add3A_411 = arith.addi %mul3A_409, %add3A_410 : i32
        %mul3A_412 = arith.constant 16 : i32
        %mul3A_413 = arith.muli %add3A_411, %mul3A_412 : i32
        %get3A_414 = arith.index_cast %mul3A_413 : i32 to index
        %get3A_415 = tpu.vector_load %arg6[%get3A_414] {strides = array<i32>} : memref<4096xi32, #tpu.memory_space<vmem>>, vector<16xi32>,
        %lt3A_416 = arith.constant 49920 : i32
        %lt3A_417 = vector.broadcast %lt3A_416 : i32 to vector<16xi32>
        %lt3A_418 = arith.cmpi slt, %get3A_415, %lt3A_417 : vector<16xi32>
        %jit3A_419 = arith.constant 0 : i32
        %broadcast_in_dim3A_420 = vector.broadcast %jit3A_419 : i32 to vector<16xi32>
        %select_n3A_421 = arith.select %lt3A_418, %get3A_415, %broadcast_in_dim3A_420 : vector<16xi1>, vector<16xi32>
        %gather3A_422 = tpu.vector_load_idx %arg7[%select_n3A_421] : memref<49920xf32, #tpu.memory_space<vmem>>[vector<16xi32>], vector<16xf32>,
        %get3A_423 = arith.index_cast %mul3A_413 : i32 to index
        %get3A_424 = tpu.vector_load %arg9[%get3A_423] {strides = array<i32>} : memref<4096xf32, #tpu.memory_space<vmem>>, vector<16xf32>,
        %le3A_425 = arith.constant 1.000000e+00 : f32
        %le3A_426 = vector.broadcast %le3A_425 : f32 to vector<16xf32>
        %le3A_427 = arith.cmpf ole, %gather3A_422, %le3A_426 : vector<16xf32>
        %and3A_428 = arith.andi %lt3A_418, %le3A_427 : vector<16xi1>
        %jit3A_429 = arith.constant 0.000000e+00 : f32
        %broadcast_in_dim3A_430 = vector.broadcast %jit3A_429 : f32 to vector<16xf32>
        %select_n3A_431 = arith.select %and3A_428, %get3A_424, %broadcast_in_dim3A_430 : vector<16xi1>, vector<16xf32>
        %swap3A_432 = arith.index_cast %mul3A_413 : i32 to index
        %swap3A_433 = tpu.vector_load %arg10[%swap3A_432] {strides = array<i32>} : memref<4096xf32, #tpu.memory_space<vmem>>, vector<16xf32>,
        tpu.vector_store %arg10[%swap3A_432], %select_n3A_431 {strides = array<i32>} : memref<4096xf32, #tpu.memory_space<vmem>>, vector<16xf32>,
      }
      %scan3A_233 = arith.constant 64 : i32
      %lt3A_234 = arith.constant 9 : i32
      %lt3A_235 = arith.cmpi slt, %scan3A_135, %lt3A_234 : i32
      %convert_element_type3A = arith.extui %lt3A_235 : i1 to i32
      %cond3A = arith.constant 0 : i32
      %cond3A_236 = arith.cmpi ne, %convert_element_type3A, %cond3A : i32
      scf.if %cond3A_236 {
        %add3A_334 = arith.constant 1 : i32
        %add3A_335 = arith.addi %add3A_136, %add3A_334 : i32
        %jit3A_336 = arith.constant 16 : i32
        %div3A_337 = arith.divsi %add3A_335, %jit3A_336 : i32
        %sign3A_338 = arith.constant 0 : i32
        %sign3A_339 = arith.cmpi sgt, %add3A_335, %sign3A_338 : i32
        %sign3A_340 = arith.extui %sign3A_339 : i1 to i32
        %sign3A_341 = arith.constant 0 : i32
        %sign3A_342 = arith.cmpi slt, %add3A_335, %sign3A_341 : i32
        %sign3A_343 = arith.extui %sign3A_342 : i1 to i32
        %sign3A_344 = arith.subi %sign3A_340, %sign3A_343 : i32
        %sign3A_345 = arith.constant 0 : i32
        %sign3A_346 = arith.cmpi sgt, %jit3A_336, %sign3A_345 : i32
        %sign3A_347 = arith.extui %sign3A_346 : i1 to i32
        %sign3A_348 = arith.constant 0 : i32
        %sign3A_349 = arith.cmpi slt, %jit3A_336, %sign3A_348 : i32
        %sign3A_350 = arith.extui %sign3A_349 : i1 to i32
        %sign3A_351 = arith.subi %sign3A_347, %sign3A_350 : i32
        %ne3A_352 = arith.cmpi ne, %sign3A_344, %sign3A_351 : i32
        %rem3A_353 = arith.remsi %add3A_335, %jit3A_336 : i32
        %ne3A_354 = arith.constant 0 : i32
        %ne3A_355 = arith.cmpi ne, %rem3A_353, %ne3A_354 : i32
        %and3A_356 = arith.andi %ne3A_352, %ne3A_355 : i1
        %sub3A_357 = arith.constant 1 : i32
        %sub3A_358 = arith.subi %div3A_337, %sub3A_357 : i32
        %select_n3A_359 = arith.select %and3A_356, %sub3A_358, %div3A_337 : i32
        %jit3A_360 = arith.constant 16 : i32
        %eq3A_361 = arith.constant 0 : i32
        %eq3A_362 = arith.cmpi eq, %jit3A_360, %eq3A_361 : i32
        %jit3A_363 = arith.constant 1 : i32
        %select_n3A_364 = arith.select %eq3A_362, %jit3A_363, %jit3A_360 : i32
        %rem3A_365 = arith.remsi %add3A_335, %select_n3A_364 : i32
        %ne3A_366 = arith.constant 0 : i32
        %ne3A_367 = arith.cmpi ne, %rem3A_365, %ne3A_366 : i32
        %lt3A_368 = arith.constant 0 : i32
        %lt3A_369 = arith.cmpi slt, %rem3A_365, %lt3A_368 : i32
        %lt3A_370 = arith.constant 0 : i32
        %lt3A_371 = arith.cmpi slt, %select_n3A_364, %lt3A_370 : i32
        %ne3A_372 = arith.xori %lt3A_369, %lt3A_371 : i1
        %and3A_373 = arith.andi %ne3A_372, %ne3A_367 : i1
        %add3A_374 = arith.addi %rem3A_365, %select_n3A_364 : i32
        %select_n3A_375 = arith.select %and3A_373, %add3A_374, %rem3A_365 : i32
        %dma_start3A_376 = arith.constant 0 : i32
        %dma_start3A_377 = tpu.memref_slice %arg3[%select_n3A_359, %select_n3A_375, %dma_start3A_376] : memref<20x16x100000xf32, #tpu.memory_space<hbm>> -> memref<1x1x49920xf32, #tpu.memory_space<hbm>>
        %dma_start3A_378 = tpu.memref_squeeze %dma_start3A_377 : memref<1x1x49920xf32, #tpu.memory_space<hbm>> -> memref<49920xf32, #tpu.memory_space<hbm>>
        %dma_start3A_379 = arith.constant 0 : i32
        %dma_start3A_380 = tpu.memref_slice %arg3[%select_n3A_359, %select_n3A_375, %dma_start3A_379] : memref<20x16x100000xf32, #tpu.memory_space<hbm>> -> memref<1x1x49920xf32, #tpu.memory_space<hbm>>
        %dma_start3A_381 = tpu.memref_squeeze %dma_start3A_380 : memref<1x1x49920xf32, #tpu.memory_space<hbm>> -> memref<49920xf32, #tpu.memory_space<hbm>>
        tpu.enqueue_dma source(%dma_start3A_381 : memref<49920xf32, #tpu.memory_space<hbm>>) target(%arg7 : memref<49920xf32, #tpu.memory_space<vmem>>) target_semaphore(%arg11 : memref<!tpu.dma_semaphore, #tpu.memory_space<semaphore_mem>>)
      } else {
      }
      %jit3A_237 = arith.constant 16 : i32
      %div3A_238 = arith.divsi %add3A_136, %jit3A_237 : i32
      %sign3A_239 = arith.constant 0 : i32
      %sign3A_240 = arith.cmpi sgt, %add3A_136, %sign3A_239 : i32
      %sign3A_241 = arith.extui %sign3A_240 : i1 to i32
      %sign3A_242 = arith.constant 0 : i32
      %sign3A_243 = arith.cmpi slt, %add3A_136, %sign3A_242 : i32
      %sign3A_244 = arith.extui %sign3A_243 : i1 to i32
      %sign3A_245 = arith.subi %sign3A_241, %sign3A_244 : i32
      %sign3A_246 = arith.constant 0 : i32
      %sign3A_247 = arith.cmpi sgt, %jit3A_237, %sign3A_246 : i32
      %sign3A_248 = arith.extui %sign3A_247 : i1 to i32
      %sign3A_249 = arith.constant 0 : i32
      %sign3A_250 = arith.cmpi slt, %jit3A_237, %sign3A_249 : i32
      %sign3A_251 = arith.extui %sign3A_250 : i1 to i32
      %sign3A_252 = arith.subi %sign3A_248, %sign3A_251 : i32
      %ne3A_253 = arith.cmpi ne, %sign3A_245, %sign3A_252 : i32
      %rem3A_254 = arith.remsi %add3A_136, %jit3A_237 : i32
      %ne3A_255 = arith.constant 0 : i32
      %ne3A_256 = arith.cmpi ne, %rem3A_254, %ne3A_255 : i32
      %and3A_257 = arith.andi %ne3A_253, %ne3A_256 : i1
      %sub3A_258 = arith.constant 1 : i32
      %sub3A_259 = arith.subi %div3A_238, %sub3A_258 : i32
      %select_n3A_260 = arith.select %and3A_257, %sub3A_259, %div3A_238 : i32
      %jit3A_261 = arith.constant 16 : i32
      %eq3A_262 = arith.constant 0 : i32
      %eq3A_263 = arith.cmpi eq, %jit3A_261, %eq3A_262 : i32
      %jit3A_264 = arith.constant 1 : i32
      %select_n3A_265 = arith.select %eq3A_263, %jit3A_264, %jit3A_261 : i32
      %rem3A_266 = arith.remsi %add3A_136, %select_n3A_265 : i32
      %ne3A_267 = arith.constant 0 : i32
      %ne3A_268 = arith.cmpi ne, %rem3A_266, %ne3A_267 : i32
      %lt3A_269 = arith.constant 0 : i32
      %lt3A_270 = arith.cmpi slt, %rem3A_266, %lt3A_269 : i32
      %lt3A_271 = arith.constant 0 : i32
      %lt3A_272 = arith.cmpi slt, %select_n3A_265, %lt3A_271 : i32
      %ne3A_273 = arith.xori %lt3A_270, %lt3A_272 : i1
      %and3A_274 = arith.andi %ne3A_273, %ne3A_268 : i1
      %add3A_275 = arith.addi %rem3A_266, %select_n3A_265 : i32
      %select_n3A_276 = arith.select %and3A_274, %add3A_275, %rem3A_266 : i32
      %dma_wait3A_277 = arith.constant 49920 : i32
      %dma_wait3A_278 = tpu.memref_slice %arg3[%select_n3A_260, %select_n3A_276, %dma_wait3A_277] : memref<20x16x100000xf32, #tpu.memory_space<hbm>> -> memref<1x1x50080xf32, #tpu.memory_space<hbm>>
      %dma_wait3A_279 = tpu.memref_squeeze %dma_wait3A_278 : memref<1x1x50080xf32, #tpu.memory_space<hbm>> -> memref<50080xf32, #tpu.memory_space<hbm>>
      %dma_wait3A_280 = arith.constant 49920 : i32
      %dma_wait3A_281 = tpu.memref_slice %arg3[%select_n3A_260, %select_n3A_276, %dma_wait3A_280] : memref<20x16x100000xf32, #tpu.memory_space<hbm>> -> memref<1x1x50080xf32, #tpu.memory_space<hbm>>
      %dma_wait3A_282 = tpu.memref_squeeze %dma_wait3A_281 : memref<1x1x50080xf32, #tpu.memory_space<hbm>> -> memref<50080xf32, #tpu.memory_space<hbm>>
      tpu.wait_dma2 semaphore(%arg12 : memref<!tpu.dma_semaphore, #tpu.memory_space<semaphore_mem>>) src(%dma_wait3A_282 : memref<50080xf32, #tpu.memory_space<hbm>>) dst(%arg8 : memref<50080xf32, #tpu.memory_space<vmem>>)
      %scan3A_283 = arith.constant 0 : i32
      %scan3A_284 = arith.constant 0 : i32
      %scan3A_285 = arith.constant 64 : i32
      %scan3A_286 = arith.addi %scan3A_284, %scan3A_285 : i32
      %scan3A_287 = arith.constant 1 : i32
      scf.for %scan3A_334 = %scan3A_284 to %scan3A_286 step %scan3A_287  : i32 {
        %mul3A_335 = arith.constant 4 : i32
        %mul3A_336 = arith.muli %scan3A_334, %mul3A_335 : i32
        %add3A_337 = arith.constant 0 : i32
        %add3A_338 = arith.addi %mul3A_336, %add3A_337 : i32
        %mul3A_339 = arith.constant 16 : i32
        %mul3A_340 = arith.muli %add3A_338, %mul3A_339 : i32
        %get3A = arith.index_cast %mul3A_340 : i32 to index
        %get3A_341 = tpu.vector_load %arg6[%get3A] {strides = array<i32>} : memref<4096xi32, #tpu.memory_space<vmem>>, vector<16xi32>,
        %ge3A = arith.constant 49920 : i32
        %ge3A_342 = vector.broadcast %ge3A : i32 to vector<16xi32>
        %ge3A_343 = arith.cmpi sge, %get3A_341, %ge3A_342 : vector<16xi32>
        %sub3A_344 = arith.constant 49920 : i32
        %sub3A_345 = vector.broadcast %sub3A_344 : i32 to vector<16xi32>
        %sub3A_346 = arith.subi %get3A_341, %sub3A_345 : vector<16xi32>
        %jit3A_347 = arith.constant 0 : i32
        %broadcast_in_dim3A = vector.broadcast %jit3A_347 : i32 to vector<16xi32>
        %select_n3A_348 = arith.select %ge3A_343, %sub3A_346, %broadcast_in_dim3A : vector<16xi1>, vector<16xi32>
        %gather3A = tpu.vector_load_idx %arg8[%select_n3A_348] : memref<50080xf32, #tpu.memory_space<vmem>>[vector<16xi32>], vector<16xf32>,
        %get3A_349 = arith.index_cast %mul3A_340 : i32 to index
        %get3A_350 = tpu.vector_load %arg9[%get3A_349] {strides = array<i32>} : memref<4096xf32, #tpu.memory_space<vmem>>, vector<16xf32>,
        %get3A_351 = arith.index_cast %mul3A_340 : i32 to index
        %get3A_352 = tpu.vector_load %arg10[%get3A_351] {strides = array<i32>} : memref<4096xf32, #tpu.memory_space<vmem>>, vector<16xf32>,
        %le3A = arith.constant 1.000000e+00 : f32
        %le3A_353 = vector.broadcast %le3A : f32 to vector<16xf32>
        %le3A_354 = arith.cmpf ole, %gather3A, %le3A_353 : vector<16xf32>
        %and3A_355 = arith.andi %ge3A_343, %le3A_354 : vector<16xi1>
        %jit3A_356 = arith.constant 0.000000e+00 : f32
        %broadcast_in_dim3A_357 = vector.broadcast %jit3A_356 : f32 to vector<16xf32>
        %select_n3A_358 = arith.select %and3A_355, %get3A_350, %broadcast_in_dim3A_357 : vector<16xi1>, vector<16xf32>
        %add3A_359 = arith.addf %get3A_352, %select_n3A_358 : vector<16xf32>
        %swap3A = arith.index_cast %mul3A_340 : i32 to index
        %swap3A_360 = tpu.vector_load %arg10[%swap3A] {strides = array<i32>} : memref<4096xf32, #tpu.memory_space<vmem>>, vector<16xf32>,
        tpu.vector_store %arg10[%swap3A], %add3A_359 {strides = array<i32>} : memref<4096xf32, #tpu.memory_space<vmem>>, vector<16xf32>,
        %mul3A_361 = arith.constant 4 : i32
        %mul3A_362 = arith.muli %scan3A_334, %mul3A_361 : i32
        %add3A_363 = arith.constant 1 : i32
        %add3A_364 = arith.addi %mul3A_362, %add3A_363 : i32
        %mul3A_365 = arith.constant 16 : i32
        %mul3A_366 = arith.muli %add3A_364, %mul3A_365 : i32
        %get3A_367 = arith.index_cast %mul3A_366 : i32 to index
        %get3A_368 = tpu.vector_load %arg6[%get3A_367] {strides = array<i32>} : memref<4096xi32, #tpu.memory_space<vmem>>, vector<16xi32>,
        %ge3A_369 = arith.constant 49920 : i32
        %ge3A_370 = vector.broadcast %ge3A_369 : i32 to vector<16xi32>
        %ge3A_371 = arith.cmpi sge, %get3A_368, %ge3A_370 : vector<16xi32>
        %sub3A_372 = arith.constant 49920 : i32
        %sub3A_373 = vector.broadcast %sub3A_372 : i32 to vector<16xi32>
        %sub3A_374 = arith.subi %get3A_368, %sub3A_373 : vector<16xi32>
        %jit3A_375 = arith.constant 0 : i32
        %broadcast_in_dim3A_376 = vector.broadcast %jit3A_375 : i32 to vector<16xi32>
        %select_n3A_377 = arith.select %ge3A_371, %sub3A_374, %broadcast_in_dim3A_376 : vector<16xi1>, vector<16xi32>
        %gather3A_378 = tpu.vector_load_idx %arg8[%select_n3A_377] : memref<50080xf32, #tpu.memory_space<vmem>>[vector<16xi32>], vector<16xf32>,
        %get3A_379 = arith.index_cast %mul3A_366 : i32 to index
        %get3A_380 = tpu.vector_load %arg9[%get3A_379] {strides = array<i32>} : memref<4096xf32, #tpu.memory_space<vmem>>, vector<16xf32>,
        %get3A_381 = arith.index_cast %mul3A_366 : i32 to index
        %get3A_382 = tpu.vector_load %arg10[%get3A_381] {strides = array<i32>} : memref<4096xf32, #tpu.memory_space<vmem>>, vector<16xf32>,
        %le3A_383 = arith.constant 1.000000e+00 : f32
        %le3A_384 = vector.broadcast %le3A_383 : f32 to vector<16xf32>
        %le3A_385 = arith.cmpf ole, %gather3A_378, %le3A_384 : vector<16xf32>
        %and3A_386 = arith.andi %ge3A_371, %le3A_385 : vector<16xi1>
        %jit3A_387 = arith.constant 0.000000e+00 : f32
        %broadcast_in_dim3A_388 = vector.broadcast %jit3A_387 : f32 to vector<16xf32>
        %select_n3A_389 = arith.select %and3A_386, %get3A_380, %broadcast_in_dim3A_388 : vector<16xi1>, vector<16xf32>
        %add3A_390 = arith.addf %get3A_382, %select_n3A_389 : vector<16xf32>
        %swap3A_391 = arith.index_cast %mul3A_366 : i32 to index
        %swap3A_392 = tpu.vector_load %arg10[%swap3A_391] {strides = array<i32>} : memref<4096xf32, #tpu.memory_space<vmem>>, vector<16xf32>,
        tpu.vector_store %arg10[%swap3A_391], %add3A_390 {strides = array<i32>} : memref<4096xf32, #tpu.memory_space<vmem>>, vector<16xf32>,
        %mul3A_393 = arith.constant 4 : i32
        %mul3A_394 = arith.muli %scan3A_334, %mul3A_393 : i32
        %add3A_395 = arith.constant 2 : i32
        %add3A_396 = arith.addi %mul3A_394, %add3A_395 : i32
        %mul3A_397 = arith.constant 16 : i32
        %mul3A_398 = arith.muli %add3A_396, %mul3A_397 : i32
        %get3A_399 = arith.index_cast %mul3A_398 : i32 to index
        %get3A_400 = tpu.vector_load %arg6[%get3A_399] {strides = array<i32>} : memref<4096xi32, #tpu.memory_space<vmem>>, vector<16xi32>,
        %ge3A_401 = arith.constant 49920 : i32
        %ge3A_402 = vector.broadcast %ge3A_401 : i32 to vector<16xi32>
        %ge3A_403 = arith.cmpi sge, %get3A_400, %ge3A_402 : vector<16xi32>
        %sub3A_404 = arith.constant 49920 : i32
        %sub3A_405 = vector.broadcast %sub3A_404 : i32 to vector<16xi32>
        %sub3A_406 = arith.subi %get3A_400, %sub3A_405 : vector<16xi32>
        %jit3A_407 = arith.constant 0 : i32
        %broadcast_in_dim3A_408 = vector.broadcast %jit3A_407 : i32 to vector<16xi32>
        %select_n3A_409 = arith.select %ge3A_403, %sub3A_406, %broadcast_in_dim3A_408 : vector<16xi1>, vector<16xi32>
        %gather3A_410 = tpu.vector_load_idx %arg8[%select_n3A_409] : memref<50080xf32, #tpu.memory_space<vmem>>[vector<16xi32>], vector<16xf32>,
        %get3A_411 = arith.index_cast %mul3A_398 : i32 to index
        %get3A_412 = tpu.vector_load %arg9[%get3A_411] {strides = array<i32>} : memref<4096xf32, #tpu.memory_space<vmem>>, vector<16xf32>,
        %get3A_413 = arith.index_cast %mul3A_398 : i32 to index
        %get3A_414 = tpu.vector_load %arg10[%get3A_413] {strides = array<i32>} : memref<4096xf32, #tpu.memory_space<vmem>>, vector<16xf32>,
        %le3A_415 = arith.constant 1.000000e+00 : f32
        %le3A_416 = vector.broadcast %le3A_415 : f32 to vector<16xf32>
        %le3A_417 = arith.cmpf ole, %gather3A_410, %le3A_416 : vector<16xf32>
        %and3A_418 = arith.andi %ge3A_403, %le3A_417 : vector<16xi1>
        %jit3A_419 = arith.constant 0.000000e+00 : f32
        %broadcast_in_dim3A_420 = vector.broadcast %jit3A_419 : f32 to vector<16xf32>
        %select_n3A_421 = arith.select %and3A_418, %get3A_412, %broadcast_in_dim3A_420 : vector<16xi1>, vector<16xf32>
        %add3A_422 = arith.addf %get3A_414, %select_n3A_421 : vector<16xf32>
        %swap3A_423 = arith.index_cast %mul3A_398 : i32 to index
        %swap3A_424 = tpu.vector_load %arg10[%swap3A_423] {strides = array<i32>} : memref<4096xf32, #tpu.memory_space<vmem>>, vector<16xf32>,
        tpu.vector_store %arg10[%swap3A_423], %add3A_422 {strides = array<i32>} : memref<4096xf32, #tpu.memory_space<vmem>>, vector<16xf32>,
        %mul3A_425 = arith.constant 4 : i32
        %mul3A_426 = arith.muli %scan3A_334, %mul3A_425 : i32
        %add3A_427 = arith.constant 3 : i32
        %add3A_428 = arith.addi %mul3A_426, %add3A_427 : i32
        %mul3A_429 = arith.constant 16 : i32
        %mul3A_430 = arith.muli %add3A_428, %mul3A_429 : i32
        %get3A_431 = arith.index_cast %mul3A_430 : i32 to index
        %get3A_432 = tpu.vector_load %arg6[%get3A_431] {strides = array<i32>} : memref<4096xi32, #tpu.memory_space<vmem>>, vector<16xi32>,
        %ge3A_433 = arith.constant 49920 : i32
        %ge3A_434 = vector.broadcast %ge3A_433 : i32 to vector<16xi32>
        %ge3A_435 = arith.cmpi sge, %get3A_432, %ge3A_434 : vector<16xi32>
        %sub3A_436 = arith.constant 49920 : i32
        %sub3A_437 = vector.broadcast %sub3A_436 : i32 to vector<16xi32>
        %sub3A_438 = arith.subi %get3A_432, %sub3A_437 : vector<16xi32>
        %jit3A_439 = arith.constant 0 : i32
        %broadcast_in_dim3A_440 = vector.broadcast %jit3A_439 : i32 to vector<16xi32>
        %select_n3A_441 = arith.select %ge3A_435, %sub3A_438, %broadcast_in_dim3A_440 : vector<16xi1>, vector<16xi32>
        %gather3A_442 = tpu.vector_load_idx %arg8[%select_n3A_441] : memref<50080xf32, #tpu.memory_space<vmem>>[vector<16xi32>], vector<16xf32>,
        %get3A_443 = arith.index_cast %mul3A_430 : i32 to index
        %get3A_444 = tpu.vector_load %arg9[%get3A_443] {strides = array<i32>} : memref<4096xf32, #tpu.memory_space<vmem>>, vector<16xf32>,
        %get3A_445 = arith.index_cast %mul3A_430 : i32 to index
        %get3A_446 = tpu.vector_load %arg10[%get3A_445] {strides = array<i32>} : memref<4096xf32, #tpu.memory_space<vmem>>, vector<16xf32>,
        %le3A_447 = arith.constant 1.000000e+00 : f32
        %le3A_448 = vector.broadcast %le3A_447 : f32 to vector<16xf32>
        %le3A_449 = arith.cmpf ole, %gather3A_442, %le3A_448 : vector<16xf32>
        %and3A_450 = arith.andi %ge3A_435, %le3A_449 : vector<16xi1>
        %jit3A_451 = arith.constant 0.000000e+00 : f32
        %broadcast_in_dim3A_452 = vector.broadcast %jit3A_451 : f32 to vector<16xf32>
        %select_n3A_453 = arith.select %and3A_450, %get3A_444, %broadcast_in_dim3A_452 : vector<16xi1>, vector<16xf32>
        %add3A_454 = arith.addf %get3A_446, %select_n3A_453 : vector<16xf32>
        %swap3A_455 = arith.index_cast %mul3A_430 : i32 to index
        %swap3A_456 = tpu.vector_load %arg10[%swap3A_455] {strides = array<i32>} : memref<4096xf32, #tpu.memory_space<vmem>>, vector<16xf32>,
        tpu.vector_store %arg10[%swap3A_455], %add3A_454 {strides = array<i32>} : memref<4096xf32, #tpu.memory_space<vmem>>, vector<16xf32>,
      }
      %scan3A_288 = arith.constant 64 : i32
      %lt3A_289 = arith.constant 9 : i32
      %lt3A_290 = arith.cmpi slt, %scan3A_135, %lt3A_289 : i32
      %convert_element_type3A_291 = arith.extui %lt3A_290 : i1 to i32
      %cond3A_292 = arith.constant 0 : i32
      %cond3A_293 = arith.cmpi ne, %convert_element_type3A_291, %cond3A_292 : i32
      scf.if %cond3A_293 {
        %add3A_334 = arith.constant 1 : i32
        %add3A_335 = arith.addi %add3A_136, %add3A_334 : i32
        %jit3A_336 = arith.constant 16 : i32
        %div3A_337 = arith.divsi %add3A_335, %jit3A_336 : i32
        %sign3A_338 = arith.constant 0 : i32
        %sign3A_339 = arith.cmpi sgt, %add3A_335, %sign3A_338 : i32
        %sign3A_340 = arith.extui %sign3A_339 : i1 to i32
        %sign3A_341 = arith.constant 0 : i32
        %sign3A_342 = arith.cmpi slt, %add3A_335, %sign3A_341 : i32
        %sign3A_343 = arith.extui %sign3A_342 : i1 to i32
        %sign3A_344 = arith.subi %sign3A_340, %sign3A_343 : i32
        %sign3A_345 = arith.constant 0 : i32
        %sign3A_346 = arith.cmpi sgt, %jit3A_336, %sign3A_345 : i32
        %sign3A_347 = arith.extui %sign3A_346 : i1 to i32
        %sign3A_348 = arith.constant 0 : i32
        %sign3A_349 = arith.cmpi slt, %jit3A_336, %sign3A_348 : i32
        %sign3A_350 = arith.extui %sign3A_349 : i1 to i32
        %sign3A_351 = arith.subi %sign3A_347, %sign3A_350 : i32
        %ne3A_352 = arith.cmpi ne, %sign3A_344, %sign3A_351 : i32
        %rem3A_353 = arith.remsi %add3A_335, %jit3A_336 : i32
        %ne3A_354 = arith.constant 0 : i32
        %ne3A_355 = arith.cmpi ne, %rem3A_353, %ne3A_354 : i32
        %and3A_356 = arith.andi %ne3A_352, %ne3A_355 : i1
        %sub3A_357 = arith.constant 1 : i32
        %sub3A_358 = arith.subi %div3A_337, %sub3A_357 : i32
        %select_n3A_359 = arith.select %and3A_356, %sub3A_358, %div3A_337 : i32
        %jit3A_360 = arith.constant 16 : i32
        %eq3A_361 = arith.constant 0 : i32
        %eq3A_362 = arith.cmpi eq, %jit3A_360, %eq3A_361 : i32
        %jit3A_363 = arith.constant 1 : i32
        %select_n3A_364 = arith.select %eq3A_362, %jit3A_363, %jit3A_360 : i32
        %rem3A_365 = arith.remsi %add3A_335, %select_n3A_364 : i32
        %ne3A_366 = arith.constant 0 : i32
        %ne3A_367 = arith.cmpi ne, %rem3A_365, %ne3A_366 : i32
        %lt3A_368 = arith.constant 0 : i32
        %lt3A_369 = arith.cmpi slt, %rem3A_365, %lt3A_368 : i32
        %lt3A_370 = arith.constant 0 : i32
        %lt3A_371 = arith.cmpi slt, %select_n3A_364, %lt3A_370 : i32
        %ne3A_372 = arith.xori %lt3A_369, %lt3A_371 : i1
        %and3A_373 = arith.andi %ne3A_372, %ne3A_367 : i1
        %add3A_374 = arith.addi %rem3A_365, %select_n3A_364 : i32
        %select_n3A_375 = arith.select %and3A_373, %add3A_374, %rem3A_365 : i32
        %dma_start3A_376 = arith.constant 49920 : i32
        %dma_start3A_377 = tpu.memref_slice %arg3[%select_n3A_359, %select_n3A_375, %dma_start3A_376] : memref<20x16x100000xf32, #tpu.memory_space<hbm>> -> memref<1x1x50080xf32, #tpu.memory_space<hbm>>
        %dma_start3A_378 = tpu.memref_squeeze %dma_start3A_377 : memref<1x1x50080xf32, #tpu.memory_space<hbm>> -> memref<50080xf32, #tpu.memory_space<hbm>>
        %dma_start3A_379 = arith.constant 49920 : i32
        %dma_start3A_380 = tpu.memref_slice %arg3[%select_n3A_359, %select_n3A_375, %dma_start3A_379] : memref<20x16x100000xf32, #tpu.memory_space<hbm>> -> memref<1x1x50080xf32, #tpu.memory_space<hbm>>
        %dma_start3A_381 = tpu.memref_squeeze %dma_start3A_380 : memref<1x1x50080xf32, #tpu.memory_space<hbm>> -> memref<50080xf32, #tpu.memory_space<hbm>>
        tpu.enqueue_dma source(%dma_start3A_381 : memref<50080xf32, #tpu.memory_space<hbm>>) target(%arg8 : memref<50080xf32, #tpu.memory_space<vmem>>) target_semaphore(%arg12 : memref<!tpu.dma_semaphore, #tpu.memory_space<semaphore_mem>>)
        %add3A_382 = arith.constant 1 : i32
        %add3A_383 = arith.addi %add3A_136, %add3A_382 : i32
        %jit3A_384 = arith.constant 16 : i32
        %div3A_385 = arith.divsi %add3A_383, %jit3A_384 : i32
        %sign3A_386 = arith.constant 0 : i32
        %sign3A_387 = arith.cmpi sgt, %add3A_383, %sign3A_386 : i32
        %sign3A_388 = arith.extui %sign3A_387 : i1 to i32
        %sign3A_389 = arith.constant 0 : i32
        %sign3A_390 = arith.cmpi slt, %add3A_383, %sign3A_389 : i32
        %sign3A_391 = arith.extui %sign3A_390 : i1 to i32
        %sign3A_392 = arith.subi %sign3A_388, %sign3A_391 : i32
        %sign3A_393 = arith.constant 0 : i32
        %sign3A_394 = arith.cmpi sgt, %jit3A_384, %sign3A_393 : i32
        %sign3A_395 = arith.extui %sign3A_394 : i1 to i32
        %sign3A_396 = arith.constant 0 : i32
        %sign3A_397 = arith.cmpi slt, %jit3A_384, %sign3A_396 : i32
        %sign3A_398 = arith.extui %sign3A_397 : i1 to i32
        %sign3A_399 = arith.subi %sign3A_395, %sign3A_398 : i32
        %ne3A_400 = arith.cmpi ne, %sign3A_392, %sign3A_399 : i32
        %rem3A_401 = arith.remsi %add3A_383, %jit3A_384 : i32
        %ne3A_402 = arith.constant 0 : i32
        %ne3A_403 = arith.cmpi ne, %rem3A_401, %ne3A_402 : i32
        %and3A_404 = arith.andi %ne3A_400, %ne3A_403 : i1
        %sub3A_405 = arith.constant 1 : i32
        %sub3A_406 = arith.subi %div3A_385, %sub3A_405 : i32
        %select_n3A_407 = arith.select %and3A_404, %sub3A_406, %div3A_385 : i32
        %jit3A_408 = arith.constant 16 : i32
        %eq3A_409 = arith.constant 0 : i32
        %eq3A_410 = arith.cmpi eq, %jit3A_408, %eq3A_409 : i32
        %jit3A_411 = arith.constant 1 : i32
        %select_n3A_412 = arith.select %eq3A_410, %jit3A_411, %jit3A_408 : i32
        %rem3A_413 = arith.remsi %add3A_383, %select_n3A_412 : i32
        %ne3A_414 = arith.constant 0 : i32
        %ne3A_415 = arith.cmpi ne, %rem3A_413, %ne3A_414 : i32
        %lt3A_416 = arith.constant 0 : i32
        %lt3A_417 = arith.cmpi slt, %rem3A_413, %lt3A_416 : i32
        %lt3A_418 = arith.constant 0 : i32
        %lt3A_419 = arith.cmpi slt, %select_n3A_412, %lt3A_418 : i32
        %ne3A_420 = arith.xori %lt3A_417, %lt3A_419 : i1
        %and3A_421 = arith.andi %ne3A_420, %ne3A_415 : i1
        %add3A_422 = arith.addi %rem3A_413, %select_n3A_412 : i32
        %select_n3A_423 = arith.select %and3A_421, %add3A_422, %rem3A_413 : i32
        %dma_start3A_424 = arith.constant 0 : i32
        %dma_start3A_425 = tpu.memref_slice %arg2[%select_n3A_407, %select_n3A_423, %dma_start3A_424] : memref<20x16x4096xf32, #tpu.memory_space<hbm>> -> memref<1x1x4096xf32, #tpu.memory_space<hbm>>
        %dma_start3A_426 = tpu.memref_squeeze %dma_start3A_425 : memref<1x1x4096xf32, #tpu.memory_space<hbm>> -> memref<4096xf32, #tpu.memory_space<hbm>>
        %dma_start3A_427 = arith.constant 0 : i32
        %dma_start3A_428 = tpu.memref_slice %arg2[%select_n3A_407, %select_n3A_423, %dma_start3A_427] : memref<20x16x4096xf32, #tpu.memory_space<hbm>> -> memref<1x1x4096xf32, #tpu.memory_space<hbm>>
        %dma_start3A_429 = tpu.memref_squeeze %dma_start3A_428 : memref<1x1x4096xf32, #tpu.memory_space<hbm>> -> memref<4096xf32, #tpu.memory_space<hbm>>
        tpu.enqueue_dma source(%dma_start3A_429 : memref<4096xf32, #tpu.memory_space<hbm>>) target(%arg9 : memref<4096xf32, #tpu.memory_space<vmem>>) target_semaphore(%arg13 : memref<!tpu.dma_semaphore, #tpu.memory_space<semaphore_mem>>)
      } else {
      }
      %jit3A_294 = arith.constant 16 : i32
      %div3A_295 = arith.divsi %add3A_136, %jit3A_294 : i32
      %sign3A_296 = arith.constant 0 : i32
      %sign3A_297 = arith.cmpi sgt, %add3A_136, %sign3A_296 : i32
      %sign3A_298 = arith.extui %sign3A_297 : i1 to i32
      %sign3A_299 = arith.constant 0 : i32
      %sign3A_300 = arith.cmpi slt, %add3A_136, %sign3A_299 : i32
      %sign3A_301 = arith.extui %sign3A_300 : i1 to i32
      %sign3A_302 = arith.subi %sign3A_298, %sign3A_301 : i32
      %sign3A_303 = arith.constant 0 : i32
      %sign3A_304 = arith.cmpi sgt, %jit3A_294, %sign3A_303 : i32
      %sign3A_305 = arith.extui %sign3A_304 : i1 to i32
      %sign3A_306 = arith.constant 0 : i32
      %sign3A_307 = arith.cmpi slt, %jit3A_294, %sign3A_306 : i32
      %sign3A_308 = arith.extui %sign3A_307 : i1 to i32
      %sign3A_309 = arith.subi %sign3A_305, %sign3A_308 : i32
      %ne3A_310 = arith.cmpi ne, %sign3A_302, %sign3A_309 : i32
      %rem3A_311 = arith.remsi %add3A_136, %jit3A_294 : i32
      %ne3A_312 = arith.constant 0 : i32
      %ne3A_313 = arith.cmpi ne, %rem3A_311, %ne3A_312 : i32
      %and3A_314 = arith.andi %ne3A_310, %ne3A_313 : i1
      %sub3A_315 = arith.constant 1 : i32
      %sub3A_316 = arith.subi %div3A_295, %sub3A_315 : i32
      %select_n3A_317 = arith.select %and3A_314, %sub3A_316, %div3A_295 : i32
      %jit3A_318 = arith.constant 16 : i32
      %eq3A_319 = arith.constant 0 : i32
      %eq3A_320 = arith.cmpi eq, %jit3A_318, %eq3A_319 : i32
      %jit3A_321 = arith.constant 1 : i32
      %select_n3A_322 = arith.select %eq3A_320, %jit3A_321, %jit3A_318 : i32
      %rem3A_323 = arith.remsi %add3A_136, %select_n3A_322 : i32
      %ne3A_324 = arith.constant 0 : i32
      %ne3A_325 = arith.cmpi ne, %rem3A_323, %ne3A_324 : i32
      %lt3A_326 = arith.constant 0 : i32
      %lt3A_327 = arith.cmpi slt, %rem3A_323, %lt3A_326 : i32
      %lt3A_328 = arith.constant 0 : i32
      %lt3A_329 = arith.cmpi slt, %select_n3A_322, %lt3A_328 : i32
      %ne3A_330 = arith.xori %lt3A_327, %lt3A_329 : i1
      %and3A_331 = arith.andi %ne3A_330, %ne3A_325 : i1
      %add3A_332 = arith.addi %rem3A_323, %select_n3A_322 : i32
      %select_n3A_333 = arith.select %and3A_331, %add3A_332, %rem3A_323 : i32
      "tpu.region"() ({
        %run_scoped3A = tpu.sem_alloc : memref<!tpu.dma_semaphore, #tpu.memory_space<semaphore_mem>>
        %dma_start3A_334 = arith.constant 0 : i32
        %dma_start3A_335 = tpu.memref_slice %arg5[%select_n3A_317, %select_n3A_333, %dma_start3A_334] : memref<20x16x4096xf32, #tpu.memory_space<hbm>> -> memref<1x1x4096xf32, #tpu.memory_space<hbm>>
        %dma_start3A_336 = tpu.memref_squeeze %dma_start3A_335 : memref<1x1x4096xf32, #tpu.memory_space<hbm>> -> memref<4096xf32, #tpu.memory_space<hbm>>
        %dma_start3A_337 = arith.constant 0 : i32
        %dma_start3A_338 = tpu.memref_slice %arg5[%select_n3A_317, %select_n3A_333, %dma_start3A_337] : memref<20x16x4096xf32, #tpu.memory_space<hbm>> -> memref<1x1x4096xf32, #tpu.memory_space<hbm>>
        %dma_start3A_339 = tpu.memref_squeeze %dma_start3A_338 : memref<1x1x4096xf32, #tpu.memory_space<hbm>> -> memref<4096xf32, #tpu.memory_space<hbm>>
        tpu.enqueue_dma source(%arg10 : memref<4096xf32, #tpu.memory_space<vmem>>) target(%dma_start3A_339 : memref<4096xf32, #tpu.memory_space<hbm>>) target_semaphore(%run_scoped3A : memref<!tpu.dma_semaphore, #tpu.memory_space<semaphore_mem>>)
        %dma_wait3A_340 = arith.constant 0 : i32
        %dma_wait3A_341 = tpu.memref_slice %arg5[%select_n3A_317, %select_n3A_333, %dma_wait3A_340] : memref<20x16x4096xf32, #tpu.memory_space<hbm>> -> memref<1x1x4096xf32, #tpu.memory_space<hbm>>
        %dma_wait3A_342 = tpu.memref_squeeze %dma_wait3A_341 : memref<1x1x4096xf32, #tpu.memory_space<hbm>> -> memref<4096xf32, #tpu.memory_space<hbm>>
        %dma_wait3A_343 = arith.constant 0 : i32
        %dma_wait3A_344 = tpu.memref_slice %arg5[%select_n3A_317, %select_n3A_333, %dma_wait3A_343] : memref<20x16x4096xf32, #tpu.memory_space<hbm>> -> memref<1x1x4096xf32, #tpu.memory_space<hbm>>
        %dma_wait3A_345 = tpu.memref_squeeze %dma_wait3A_344 : memref<1x1x4096xf32, #tpu.memory_space<hbm>> -> memref<4096xf32, #tpu.memory_space<hbm>>
        tpu.wait_dma2 semaphore(%run_scoped3A : memref<!tpu.dma_semaphore, #tpu.memory_space<semaphore_mem>>) src(%arg10 : memref<4096xf32, #tpu.memory_space<vmem>>) dst(%dma_wait3A_345 : memref<4096xf32, #tpu.memory_space<hbm>>)
        tpu.yield
      }) : () -> ()
    }
    %scan3A_134 = arith.constant 10 : i32
    return
  }
}

</mosaic_0001>

<sc_bundles>
// kernel: kernel.3.cloned.1.call-start
scs
__scs_entry_jumppad:
0x0: {  	(pc) =	sbr.rel $0x88, $3  }
0x1: {  	(tag) =	ssettag $0x0;
	lr =	simm.s32 $0x1  }
0x2: {  	[smem:$0x3F9E] =	sst lr;
	_ =	strace $0xD0000000  }
0x3: {  	_ = 	snop  }
0x4: {  	_ = 	snop  }
0x5: {  	_ = 	snop  }
0x6: {  	_ = 	snop  }
0x7: {  	_ = 	snop  }
__scs_overlays_trampoline_lowered:
0x8: {  	[smem:$0x3FAD] =	sst s0  }
0x9: {  	[smem:$0x3FAE] =	sst s1  }
0xa: {  	[smem:$0x3FAF] =	sst s2  }
0xb: {  	[smem:$0x3FB0] =	sst s3  }
0xc: {  	[smem:$0x3FB1] =	sst s4  }
0xd: {  	[smem:$0x3FB2] =	sst s5  }
0xe: {  	[smem:$0x3FB3] =	sst s6  }
0xf: {  	[smem:$0x3FB4] =	sst s7  }
0x10: {  	[smem:$0x3FB5] =	sst s8  }
0x11: {  	[smem:$0x3FB6] =	sst s9;
	s0 =	simm.s32 @!p0 $0x0  }
0x12: {  	s1 =	sld [smem:$0x3F9C];
	s0 =	simm.s32 @p0 $0x1  }
0x13: {  	[smem:$0x3FB7] =	sst s0;
	s0 =	simm.s32 @!p1 $0x0  }
0x14: {  	s2 =	sld [smem:$0x3F9B];
	s0 =	simm.s32 @p1 $0x1  }
0x15: {  	[smem:$0x3FB8] =	sst s0;
	s0 =	simm.s32 @!p2 $0x0  }
0x16: {  	s3 =	sld [smem:$0x3FDB];
	s0 =	simm.s32 @p2 $0x1  }
0x17: {  	s4 =	simm.s32 $0x1BF5;
	[smem:$0x3FBA] =	sst s0  }
0x18: {  	s0 =	sld [smem:$0x3F9D];
	_ =	swait.ge [sflag:s4], $0x0  }
0x19: {  	s7 =	sld [smem:$0x3F9E]  }
0x1a: {  	s8 =	sadd.s32 $0xFFFFE003, lr  }
0x1b: {  	s9 =	sadd.s32 $0xFFFFFEF7, lr;
	s5 =	simm.s32 $0xFFFFFFFF;
	p2 =	slt.u32 s8, $0xFFFFF086  }
0x1c: {  	p1 =	slt.u32 s9, $0xF7A;
	s5 =	simm.s32 @!p2 $0x0  }
0x1d: {  	s5 =	simm.s32 @p1 $0x1;
	p0 =	seq.s32 s7, s2  }
0x1e: {  	s7 =	smul.u32 @!p0 $0xF7A, s2;
	p2 =	seq.s32 @!p0 s5, $0x0  }
0x1f: {  	s9 =	smul.u32 $0xF7A, s1;
	s8 =	simm.s32 @!p0 $0x1BF5;
	p2 =	por !p2, p0  }
0x20: {  	[sflag:s8] =	ssyncset.s32 @!p0 $0xFFFFF086;
	s6 =	sadd.s32 @!p0 s3, s7;
	s7 =	simm.s32 @!p0 $0x108  }
0x21: {  	s3 =	sadd.s32 s3, s9;
	s6 =	sadd.s32 @!p0 $0x88, s6;
	s7 =	simm.s32 @p2 $0x1082  }
0x22: {  	[simem:s7], [sflag:s8] =	dma.local @!p0 [hbm:s6], $0xF7A  }
0x23: {  	s9 =	sor.u32 $0xD0000000, s2;
	s6 =	simm.s32 $0x108;
	_ =	swait.ge @!p0 [sflag:s8], $0x0  }
0x24: {  	s3 =	sadd.s32 $0x88, s3;
	s6 =	simm.s32 @!p1 $0x1082;
	[sflag:s4] =	ssyncset.s32 $0xFFFFF086  }
0x25: {  	[simem:s6], [sflag:s4] =	dma.local [hbm:s3], $0xF7A  }
0x26: {  	[smem:$0x3F9E] =	sst s1;
	(tag) =	ssettag s2;
	_ =	strace s9  }
0x27: {  	s1 =	sld [smem:$0x3FAE]  }
0x28: {  	s2 =	sld [smem:$0x3FAF]  }
0x29: {  	s4 =	sld [smem:$0x3FB1]  }
0x2a: {  	p0 =	seq.s32 s5, $0x0;
	s5 =	sld [smem:$0x3FB2]  }
0x2b: {  	s6 =	sld [smem:$0x3FB3]  }
0x2c: {  	s7 =	sld [smem:$0x3FB4]  }
0x2d: {  	s3 =	simm.s32 $0x108;
	s8 =	sld [smem:$0x3FB5]  }
0x2e: {  	s3 =	simm.s32 @!p0 $0x1082;
	s9 =	sld [smem:$0x3FB6]  }
0x2f: {  	lr =	sadd.s32 s0, s3;
	s0 =	sld [smem:$0x3FAD]  }
0x30: {  	s3 =	sld [smem:$0x3FB0]  }
0x31: {  	[smem:$0x3FB9] =	sst s10  }
0x32: {  	s10 =	sld [smem:$0x3FB7];
	_ =	sdelay $0x3  }
0x33: {  	p0 =	seq.s32 s10, $0x1;
	s10 =	sld [smem:$0x3FB9];
	_ =	sdelay $0x3  }
0x34: {  	[smem:$0x3FB9] =	sst s10  }
0x35: {  	s10 =	sld [smem:$0x3FB8];
	_ =	sdelay $0x3  }
0x36: {  	p1 =	seq.s32 s10, $0x1;
	s10 =	sld [smem:$0x3FB9];
	_ =	sdelay $0x3  }
0x37: {  	[smem:$0x3FB9] =	sst s10  }
0x38: {  	s10 =	sld [smem:$0x3FBA]  }
0x39: {  	_ = 	snop;
	(pc) =	sbr.ind lr, $3  }
0x3a: {  	_ = 	snop  }
0x3b: {  	_ = 	snop  }
0x3c: {  	p2 =	seq.s32 s10, $0x1;
	s10 =	sld [smem:$0x3FB9]  }
0x3d: {  	_ =	shalt  }
0x3e: {  	_ =	shalt  }
0x3f: {  	_ =	shalt  }
0x40: {  	_ =	shalt  }
0x41: {  	_ =	shalt  }
0x42: {  	_ =	shalt  }
0x43: {  	_ =	shalt  }
0x44: {  	_ =	shalt  }
0x45: {  	_ =	shalt  }
0x46: {  	_ =	shalt  }
0x47: {  	_ =	shalt  }
0x48: {  	_ =	shalt  }
0x49: {  	_ =	shalt  }
0x4a: {  	_ =	shalt  }
0x4b: {  	_ =	shalt  }
0x4c: {  	_ =	shalt  }
0x4d: {  	_ =	shalt  }
0x4e: {  	_ =	shalt  }
0x4f: {  	_ =	shalt  }
0x50: {  	_ =	shalt  }
0x51: {  	_ =	shalt  }
0x52: {  	_ =	shalt  }
0x53: {  	_ =	shalt  }
0x54: {  	_ =	shalt  }
0x55: {  	_ =	shalt  }
0x56: {  	_ =	shalt  }
0x57: {  	_ =	shalt  }
0x58: {  	_ =	shalt  }
0x59: {  	_ =	shalt  }
0x5a: {  	_ =	shalt  }
0x5b: {  	_ =	shalt  }
0x5c: {  	_ =	shalt  }
0x5d: {  	_ =	shalt  }
0x5e: {  	_ =	shalt  }
0x5f: {  	_ =	shalt  }
0x60: {  	_ =	shalt  }
0x61: {  	_ =	shalt  }
0x62: {  	_ =	shalt  }
0x63: {  	_ =	shalt  }
0x64: {  	_ =	shalt  }
0x65: {  	_ =	shalt  }
0x66: {  	_ =	shalt  }
0x67: {  	_ =	shalt  }
0x68: {  	_ =	shalt  }
0x69: {  	_ =	shalt  }
0x6a: {  	_ =	shalt  }
0x6b: {  	_ =	shalt  }
0x6c: {  	_ =	shalt  }
0x6d: {  	_ =	shalt  }
0x6e: {  	_ =	shalt  }
0x6f: {  	_ =	shalt  }
0x70: {  	_ =	shalt  }
0x71: {  	_ =	shalt  }
0x72: {  	_ =	shalt  }
0x73: {  	_ =	shalt  }
0x74: {  	_ =	shalt  }
0x75: {  	_ =	shalt  }
0x76: {  	_ =	shalt  }
0x77: {  	_ =	shalt  }
0x78: {  	_ =	shalt  }
0x79: {  	_ =	shalt  }
0x7a: {  	_ =	shalt  }
0x7b: {  	_ =	shalt  }
0x7c: {  	_ =	shalt  }
0x7d: {  	_ =	shalt  }
0x7e: {  	_ =	shalt  }
0x7f: {  	_ =	shalt  }
0x80: {  	_ =	shalt  }
0x81: {  	_ =	shalt  }
0x82: {  	_ =	shalt  }
0x83: {  	_ =	shalt  }
0x84: {  	_ =	shalt  }
0x85: {  	_ =	shalt  }
0x86: {  	_ =	shalt  }
0x87: {  	_ =	shalt  }
.Lfunc_end0:
.L_simem_size_0:
called_computation_lowered:
.L_overlay_start_0:
0x88: {  	s2 =	sld [smem:$0x3FD9]  }
0x89: {  	s3 =	sld [smem:$0x3FFE];
	_ =	sdelay $0x1  }
0x8a: {  	s1 =	srdreg.scid  }
0x8b: {  	s0 =	sand.u32 $0x1, s1  }
0x8c: {  	s18 =	sshll.u32 s0, $0xA;
	s2 =	sadd.s32 s3, s2  }
0x8d: {  	s2 =	sadd.s32 s2, s18  }
0x8e: {  	[smem:$0x3FC5] =	sst s2  }
0x8f: {  	_ = 	snop  }
0x90: {  	s2 =	sld [smem:$0x3FC9]  }
0x91: {  	s19 =	sld [smem:$0x3FC8]  }
0x92: {  	s4 =	sld [smem:$0x3FC7]  }
0x93: {  	s5 =	sld [smem:$0x3FD0];
	(tm) =	ssettm $0x1  }
0x94: {  	s6 =	sld [smem:$0x3FFB];
	_ =	sdelay $0x3  }
0x95: {  	_ =	strace s6  }
0x96: {  	s6 =	sld [smem:$0x3FFC];
	_ =	sdelay $0x3  }
0x97: {  	_ =	strace s6  }
0x98: {  	s6 =	sld [smem:$0x3FFD];
	_ =	sdelay $0x3  }
0x99: {  	_ =	strace s6  }
0x9a: {  	_ =	strace $0x8FFFFFFF  }
0x9b: {  	s20 =	sld [smem:$0x3FDB];
	_ =	sdelay $0x1  }
0x9c: {  	s7 =	simm.s32 $_scs_section_size  }
0x9d: {  	s8 =	simm.s32 $_size__tile_overlayer_lowered;
	s9 =	simm.s32 $_tile_overlayer_lowered  }
0x9e: {  	s23 =	simm.s32 $0x1BFF;
	s22 =	sshll.u32 s9, $0x1;
	s6 =	sadd.s32 s7, s20  }
0x9f: {  	s10 =	simm.s32 $0x0;
	s21 =	sshll.u32 s8, $0x1;
	s8 =	sadd.s32 s22, s6  }
0xa0: {  	[timem:s10], [sflag:s23] =	dma.local [hbm:s8], s21  }
0xa1: {  	_ =	swait.ge [sflag:s23], s21  }
0xa2: {  	s7 =	ssub.s32 $0x0, s21;
	[sflag:s23] =	ssyncset.done $0x0  }
0xa3: {  	[sflag:s23] =	ssyncadd.s32 s7;
	_ =	sdelay $0x1  }
0xa4: {  	s24 =	simm.s32 $0x1B8B  }
0xa5: {  	_ =	swait.ge [sflag:s24], $0x1  }
0xa6: {  	[sflag:s24] =	ssyncset.done $0x0  }
0xa7: {  	s25 =	simm.s32 $0x1B8E;
	[sflag:s24] =	ssyncadd.s32 $0xFFFFFFFF  }
0xa8: {  	s26 =	simm.s32 $execute0_lowered;
	[smem:$0x3FD2] =	sst s25  }
0xa9: {  	s7 =	sshll.u32 s26, $0x1;
	_ =	strace $0x80000046;
	[dreg:$0x1] =	wrdreg $0xFFFFFFFF  }
0xaa: {  	s28 =	simm.s32 $_size_execute0_lowered;
	s6 =	sadd.s32 s6, s7;
	[dreg:$0x0] =	wrdreg $0x0  }
0xab: {  	s7 =	sshll.u32 s28, $0x1;
	[dreg:$0x2] =	wrdreg s6  }
0xac: {  	[dreg:$0x3] =	wrdreg s7  }
0xad: {  	[dreg:$0x4] =	wrdreg $0xC0  }
0xae: {  	_ =	task [dreg:s10], $0x5FFFF  }
0xaf: {  	[dreg:$0x1] =	wrdreg $0xFFFFFFFF  }
0xb0: {  	[dreg:$0x0] =	wrdreg $0x60  }
0xb1: {  	[dreg:$0x2] =	wrdreg s2  }
0xb2: {  	[dreg:$0x3] =	wrdreg s19  }
0xb3: {  	[dreg:$0x4] =	wrdreg s4  }
0xb4: {  	[dreg:$0x5] =	wrdreg s5  }
0xb5: {  	[dreg:$0x6] =	wrdreg $0x9  }
0xb6: {  	_ =	task.clear_ibuf [dreg:s10], $0x7FFFF;
	_ =	strace $0x90000046  }
0xb7: {  	s29 =	simm.s32 $0x9;
	_ =	strace $0x80000048  }
0xb8: {  	_ =	swait.ge [sflag:s29], $0x1  }
0xb9: {  	[sflag:s29] =	ssyncadd.s32 $0xFFFFFFFF  }
0xba: {  	_ =	strace $0x90000048  }
0xbb: {  	_ =	sfence  }
0xbc: {  	s30 =	sld [smem:$0x0];
	_ =	sdelay $0x2  }
0xbd: {  	s31 =	sshll.u32 s1, $0xD;
	s1 =	sshrl.u32 s1, $0x2  }
0xbe: {  	s3 =	sand.u32 $0x4000, s31;
	s1 =	sadd.s32 s1, s30  }
0xbf: {  	s0 =	sor.u32 s3, s0;
	s1 =	sshll.u32 s1, $0x11  }
0xc0: {  	s0 =	sor.u32 s1, s0  }
0xc1: {  	s0 =	sadd.s32 $0x8F2B, s0  }
0xc2: {  	[sflag:s0] =	ssyncadd.remote.s32 $0x1  }
0xc3: {  	_ =	sfence.sel $0xFFFF  }
0xc4: {  	[dreg:$0x0] =	wrdreg $0xFFFFFFFF;
	(pc) =	sbr.abs _section_cstart, $3  }
0xc5: {  	[dreg:$0x1] =	wrdreg $0xFFFFFFFF  }
0xc6: {  	_ =	task.clear_ibuf [dreg:s10], $0x2FFFF;
	_ =	strace $0x9FFFFFFF  }
0xc7: {  	(tm) =	ssettm $0x7FFFFFFF  }
tec
execute0_lowered:
.L_overlay_start_1:
0x0: {  	(tag) =	ssettag $0x1  }
0x1: {  	s1 =	rddreg [dreg:$0x0]  }
0x2: {  	s3 =	rddreg [dreg:$0x1]  }
0x3: {  	s0 =	srdreg.scid;
	s4 =	rddreg [dreg:$0x2]  }
0x4: {  	s2 =	stileid.u32;
	s6 =	rddreg [dreg:$0x3]  }
0x5: {  	s7 =	simm.s32 $0x0;
	s12 =	simm.s32 $0x80;
	s13 =	simm.s32 $0x400  }
0x6: {  	s14 =	simm.s32 $0x1000;
	s0 =	sand.u32 $0x1, s0;
	s2 =	sshll.u32 s2, $0x1  }
0x7: {  	s15 =	simm.s32 $0xD300;
	s16 =	simm.s32 $0x19700;
	s2 =	sor.u32 s0, s2  }
0x8: {  	s17 =	simm.s32 $0x4;
	s18 =	simm.s32 $0x1;
	s5 =	smul.u32 $0xA, s2  }
0x9: {  	s19 =	simm.s32 $0x3;
	s20 =	simm.s32 $0x2;
	s21 =	simm.s32 $0x1A700  }
0xa: {  	s22 =	simm.s32 $0x0;
	s2 =	sshrl.u32 s5, $0x4;
	s8 =	sand.u32 $0x8, s5  }
0xb: {  	[smem:$0x7FF] =	sst s7;
	s8 =	sshrl.u32 s8, $0x3;
	s9 =	smul.u32 $0x187000, s2  }
0xc: {  	s0 =	ssub.s32 $0x2, s0;
	s10 =	sshll.u32 s5, $0x7;
	s11 =	smul.u32 $0xC3800, s8  }
0xd: {  	_ =	strace $0x80000047;
	s29 =	sshrl.u32 s0, $0x1;
	s10 =	sand.u32 $0x300, s10  }
0xe: {  	s2 =	sshll.u32 s2, $0x10;
	s8 =	sshll.u32 s8, $0xF;
	s9 =	sadd.s32 s9, s11  }
0xf: {  	s0 =	ssub.s32 s0, s29;
	s2 =	sor.u32 s2, s8;
	s9 =	sor.u32 s10, s9  }
0x10: {  	s2 =	sor.u32 s10, s2;
	s11 =	smax.u32 s0, $0x1;
	s30 =	sadd.s32 $0x61800, s9  }
0x11: {  	s2 =	sshrl.u32 s2, $0x3;
	s9 =	sshrl.u32 s9, $0x3;
	s31 =	sshrl.u32 s30, $0x3  }
0x12: {  	s10 =	sadd.s32 s1, s2;
	s8 =	sadd.s32 s3, s9;
	s9 =	sadd.s32 s3, s31  }
.LBB2_1:
0x13: {  	[tilespmem:s14], [sflag:$0x1] =	stream.strided.gather [hbm4b:s8+s12], $0xC300, s13, s12, $0x38;
	[tilespmem:$0x1B700] =	vst v63  }
0x14: {  	_ = 	snop  }
0x15: {  	[tilespmem:s15], [sflag:$0x2] =	stream.strided.gather [hbm4b:s9+s12], $0xC400, s13, s12, $0x38;
	[tilespmem:$0x1B700] =	vst v63  }
0x16: {  	_ = 	snop  }
0x17: {  	[tilespmem:s16], [sflag:$0x3] =	stream.strided.gather [hbm4b:s10+s12], $0x1000, s13, s12, $0x38;
	[tilespmem:$0x1B700] =	vst v63  }
0x18: {  	_ = 	snop  }
0x19: {  	[tilespmem:s7], [sflag:$0x4] =	stream.linear.gather [hbm4b:s4+s7], $0x1000, $0x38;
	[tilespmem:$0x1B700] =	vst v63  }
0x1a: {  	_ =	swait.ge [sflag:s17], $0x1000  }
0x1b: {  	[sflag:s17] =	ssyncset.done $0x0  }
0x1c: {  	s23 =	simm.s32 $0x0;
	[sflag:s17] =	ssyncadd.s32 $0xFFFFF000  }
.LBB2_2:
0x1d: {  	_ =	swait.ge [sflag:s18], $0xC300  }
0x1e: {  	[sflag:s18] =	ssyncset.done $0x0  }
0x1f: {  	[sflag:s18] =	ssyncadd.s32 $0xFFFF3D00  }
0x20: {  	_ =	swait.ge [sflag:s19], $0x1000  }
0x21: {  	[sflag:s19] =	ssyncset.done $0x0  }
0x22: {  	s24 =	simm.s32 $0x0;
	[sflag:s19] =	ssyncadd.s32 $0xFFFFF000  }
0x23: {  	v0 =	vld [tilespmem:s24+$0x0];
	_ =	sdelay $0x4  }
0x24: {  	vm0 =	vlt.s32 v0, $0xC300  }
0x25: {  	v0 =	vnsel vm0, $0x0, v0;
	_ =	sdelay $0x3  }
0x26: {  	v1 =	vld [tilespmem:s24+$0x10]  }
0x27: {  	v0 =	vld.idx.msk [tilespmem:v0+s14+$0x0], $0xffff;
	_ =	sdelay $0x1  }
0x28: {  	v2 =	vld [tilespmem:s24+$0x19700];
	_ =	sdelay $0x1  }
0x29: {  	vm1 =	vlt.s32 v1, $0xC300  }
0x2a: {  	vm2 =	vle.f32 v0, $1.000000000e+00;
	v0 =	vnsel vm1, $0x0, v1  }
0x2b: {  	vm0 =	vmand vm0, vm2  }
0x2c: {  	v1 =	vnsel vm0, $0x0, v2  }
0x2d: {  	[tilespmem:s24+$0x1A700] =	vst v1;
	v1 =	vld [tilespmem:s24+$0x20];
	_ =	sdelay $0x1  }
0x2e: {  	v0 =	vld.idx.msk [tilespmem:v0+s14+$0x0], $0xffff;
	_ =	sdelay $0x1  }
0x2f: {  	v2 =	vld [tilespmem:s24+$0x19710]  }
0x30: {  	vm2 =	vlt.s32 v1, $0xC300  }
0x31: {  	v1 =	vnsel vm2, $0x0, v1  }
0x32: {  	vm0 =	vle.f32 v0, $1.000000000e+00  }
0x33: {  	vm0 =	vmand vm1, vm0  }
0x34: {  	v0 =	vnsel vm0, $0x0, v2  }
0x35: {  	[tilespmem:s24+$0x1A710] =	vst v0  }
0x36: {  	v0 =	vld.idx.msk [tilespmem:v1+s14+$0x0], $0xffff  }
0x37: {  	v1 =	vld [tilespmem:s24+$0x30];
	_ =	sdelay $0x3  }
0x38: {  	v2 =	vld [tilespmem:s24+$0x19720]  }
0x39: {  	vm0 =	vlt.s32 v1, $0xC300  }
0x3a: {  	vm1 =	vle.f32 v0, $1.000000000e+00;
	v0 =	vnsel vm0, $0x0, v1;
	_ =	sdelay $0x1  }
0x3b: {  	vm1 =	vmand vm2, vm1  }
0x3c: {  	s0 =	simm.s32 $0x40;
	s2 =	simm.s32 $0x200;
	v1 =	vnsel vm1, $0x0, v2  }
.LBB2_3:
0x3d: {  	p0 =	sne.s32 s2, $0x3F00;
	v2 =	vld [tilespmem:s0+$0x0];
	[tilespmem:s24+$0x1A720] =	vst v1  }
0x3e: {  	v0 =	vld.idx.msk [tilespmem:v0+s14+$0x0], $0xffff;
	_ =	sdelay $0x2  }
0x3f: {  	v1 =	vld [tilespmem:s24+$0x19730]  }
0x40: {  	vm1 =	vlt.s32 v2, $0xC300  }
0x41: {  	v2 =	vnsel vm1, $0x0, v2  }
0x42: {  	vm2 =	vle.f32 v0, $1.000000000e+00  }
0x43: {  	vm0 =	vmand vm0, vm2  }
0x44: {  	v0 =	vnsel vm0, $0x0, v1  }
0x45: {  	v1 =	vld [tilespmem:s0+$0x10];
	[tilespmem:s24+$0x1A730] =	vst v0;
	s24 =	smov.u32 s0  }
0x46: {  	v0 =	vld.idx.msk [tilespmem:v2+s14+$0x0], $0xffff;
	_ =	sdelay $0x2  }
0x47: {  	v2 =	vld [tilespmem:s24+$0x19700]  }
0x48: {  	vm0 =	vlt.s32 v1, $0xC300  }
0x49: {  	v1 =	vnsel vm0, $0x0, v1  }
0x4a: {  	vm2 =	vle.f32 v0, $1.000000000e+00  }
0x4b: {  	vm1 =	vmand vm1, vm2  }
0x4c: {  	v0 =	vnsel vm1, $0x0, v2  }
0x4d: {  	[tilespmem:s24+$0x1A700] =	vst v0;
	v0 =	vld [tilespmem:s24+$0x20]  }
0x4e: {  	v1 =	vld.idx.msk [tilespmem:v1+s14+$0x0], $0xffff;
	_ =	sdelay $0x2  }
0x4f: {  	v2 =	vld [tilespmem:s24+$0x19710]  }
0x50: {  	vm1 =	vlt.s32 v0, $0xC300  }
0x51: {  	v0 =	vnsel vm1, $0x0, v0  }
0x52: {  	vm2 =	vle.f32 v1, $1.000000000e+00  }
0x53: {  	vm0 =	vmand vm0, vm2  }
0x54: {  	v1 =	vnsel vm0, $0x0, v2  }
0x55: {  	[tilespmem:s24+$0x1A710] =	vst v1;
	v1 =	vld [tilespmem:s24+$0x30]  }
0x56: {  	v2 =	vld.idx.msk [tilespmem:v0+s14+$0x0], $0xffff;
	_ =	sdelay $0x2  }
0x57: {  	v3 =	vld [tilespmem:s24+$0x19720]  }
.Ltmp0:
0x58: {  	vm0 =	vlt.s32 v1, $0xC300;
	(pc) =	sbr.rel @p0 .LBB2_3-.Ltmp0, $4  }
0x59: {  	v0 =	vnsel vm0, $0x0, v1  }
0x5a: {  	vm2 =	vle.f32 v2, $1.000000000e+00  }
0x5b: {  	vm1 =	vmand vm1, vm2  }
0x5c: {  	s0 =	sshra.s32 s2, $0x2;
	s2 =	sadd.s32 $0x100, s2;
	v1 =	vnsel vm1, $0x0, v3  }
0x5d: {  	_ =	sdelay $0x1  }
0x5e: {  	v2 =	vld [tilespmem:s0+$0x0]  }
0x5f: {  	[tilespmem:s24+$0x1A720] =	vst v1  }
0x60: {  	v0 =	vld.idx.msk [tilespmem:v0+s14+$0x0], $0xffff;
	_ =	sdelay $0x1  }
0x61: {  	v1 =	vld [tilespmem:s24+$0x19730]  }
0x62: {  	vm1 =	vlt.s32 v2, $0xC300  }
0x63: {  	v2 =	vnsel vm1, $0x0, v2  }
0x64: {  	vm2 =	vle.f32 v0, $1.000000000e+00  }
0x65: {  	vm0 =	vmand vm0, vm2  }
0x66: {  	v0 =	vnsel vm0, $0x0, v1;
	v1 =	vld [tilespmem:s0+$0x10]  }
0x67: {  	[tilespmem:s24+$0x1A730] =	vst v0  }
0x68: {  	v0 =	vld.idx.msk [tilespmem:v2+s14+$0x0], $0xffff;
	_ =	sdelay $0x1  }
0x69: {  	v2 =	vld [tilespmem:s0+$0x19700]  }
0x6a: {  	vm9 =	vlt.s32 v1, $0xC300  }
0x6b: {  	v1 =	vnsel vm9, $0x0, v1  }
0x6c: {  	vm10 =	vle.f32 v0, $1.000000000e+00  }
0x6d: {  	vm1 =	vmand vm1, vm10  }
0x6e: {  	v0 =	vnsel vm1, $0x0, v2  }
0x6f: {  	[tilespmem:s0+$0x1A700] =	vst v0;
	v0 =	vld [tilespmem:s0+$0x20]  }
0x70: {  	v1 =	vld.idx.msk [tilespmem:v1+s14+$0x0], $0xffff;
	_ =	sdelay $0x1  }
0x71: {  	v2 =	vld [tilespmem:s0+$0x19710];
	_ =	sdelay $0x1  }
0x72: {  	vm11 =	vlt.s32 v0, $0xC300  }
0x73: {  	vm12 =	vle.f32 v1, $1.000000000e+00;
	v0 =	vnsel vm11, $0x0, v0  }
0x74: {  	vm0 =	vmand vm9, vm12  }
0x75: {  	v1 =	vnsel vm0, $0x0, v2  }
0x76: {  	[tilespmem:s0+$0x1A710] =	vst v1;
	v1 =	vld [tilespmem:s0+$0x30];
	_ =	sdelay $0x1  }
0x77: {  	v0 =	vld.idx.msk [tilespmem:v0+s14+$0x0], $0xffff;
	_ =	sdelay $0x1  }
0x78: {  	v2 =	vld [tilespmem:s0+$0x19720]  }
0x79: {  	vm13 =	vlt.s32 v1, $0xC300  }
0x7a: {  	v1 =	vnsel vm13, $0x0, v1  }
0x7b: {  	vm14 =	vle.f32 v0, $1.000000000e+00  }
0x7c: {  	vm1 =	vmand vm11, vm14  }
0x7d: {  	v0 =	vnsel vm1, $0x0, v2  }
0x7e: {  	[tilespmem:s0+$0x1A720] =	vst v0  }
0x7f: {  	s29 =	sadd.s32 s5, s23;
	p0 =	seq.s32 s23, $0x9;
	v0 =	vld.idx.msk [tilespmem:v1+s14+$0x0], $0xffff  }
0x80: {  	s28 =	sadd.s32 @!p0 $0x1, s29  }
0x81: {  	s2 =	sshll.u32 @!p0 s28, $0x1C;
	s24 =	sshrl.u32 @!p0 s28, $0x4;
	v1 =	vld [tilespmem:s0+$0x19730]  }
0x82: {  	s2 =	sshra.s32 @!p0 s2, $0x1F;
	s26 =	smul.u32 @!p0 $0x187000, s24  }
0x83: {  	s25 =	sshll.u32 @!p0 s28, $0x7;
	s2 =	sand.u32 @!p0 $0xC3800, s2  }
0x84: {  	s25 =	sand.u32 @!p0 $0x380, s25;
	s2 =	sadd.s32 @!p0 s26, s2;
	vm15 =	vle.f32 v0, $1.000000000e+00  }
0x85: {  	s2 =	sor.u32 @!p0 s25, s2;
	vm0 =	vmand vm13, vm15  }
0x86: {  	s30 =	simm.s32 @!p0 $0x400;
	s2 =	sshrl.u32 @!p0 s2, $0x3;
	v0 =	vnsel vm0, $0x0, v1  }
0x87: {  	s31 =	simm.s32 @!p0 $0x1000;
	s2 =	sadd.s32 @!p0 s3, s2;
	[tilespmem:s0+$0x1A730] =	vst v0;
	s0 =	simm.s32 @!p0 $0x80  }
0x88: {  	[tilespmem:s31], [sflag:$0x1] =	stream.strided.gather @!p0 [hbm4b:s2+s0], $0xC300, s30, s0, $0x38;
	[tilespmem:$0x1B700] =	vst v63  }
0x89: {  	_ =	swait.ge [sflag:s20], $0xC400  }
0x8a: {  	[sflag:s20] =	ssyncset.done $0x0  }
0x8b: {  	s31 =	simm.s32 $0x0;
	[sflag:s20] =	ssyncadd.s32 $0xFFFF3C00  }
0x8c: {  	v0 =	vld [tilespmem:s31+$0x0];
	_ =	sdelay $0x4  }
0x8d: {  	vm4 =	vgt.s32 v0, $0xC300  }
0x8e: {  	v1 =	vnsel vm4, $0xC300, v0  }
0x8f: {  	v1 =	vadd.s32 $0xFFFF3D00, v1;
	_ =	sdelay $0x3  }
0x90: {  	v2 =	vld [tilespmem:s31+$0x10]  }
0x91: {  	v1 =	vld.idx.msk [tilespmem:v1+s15+$0x0], $0xffff;
	_ =	sdelay $0x1  }
0x92: {  	v3 =	vld [tilespmem:s31+$0x19700]  }
0x93: {  	v4 =	vld [tilespmem:s31+$0x1A700]  }
0x94: {  	vm5 =	vgt.s32 v2, $0xC300  }
0x95: {  	vm6 =	vgt.s32 v0, $0xC2FF;
	v0 =	vnsel vm5, $0xC300, v2;
	vm7 =	vle.f32 v1, $1.000000000e+00  }
0x96: {  	v0 =	vadd.s32 $0xFFFF3D00, v0;
	vm8 =	vmand vm6, vm7  }
0x97: {  	v1 =	vnsel vm8, $0x0, v3  }
0x98: {  	v1 =	vadd.f32 v1, v4;
	_ =	sdelay $0x1  }
0x99: {  	[tilespmem:s31+$0x1A700] =	vst v1;
	v1 =	vld [tilespmem:s31+$0x20]  }
0x9a: {  	v0 =	vld.idx.msk [tilespmem:v0+s15+$0x0], $0xffff;
	_ =	sdelay $0x1  }
0x9b: {  	v3 =	vld [tilespmem:s31+$0x19710]  }
0x9c: {  	v62 =	vld [tilespmem:s31+$0x1A710]  }
0x9d: {  	vm9 =	vgt.s32 v1, $0xC300  }
0x9e: {  	vm10 =	vgt.s32 v2, $0xC2FF;
	vm11 =	vle.f32 v0, $1.000000000e+00;
	v0 =	vnsel vm9, $0xC300, v1  }
0x9f: {  	vm12 =	vmand vm10, vm11;
	v0 =	vadd.s32 $0xFFFF3D00, v0  }
0xa0: {  	v2 =	vnsel vm12, $0x0, v3  }
0xa1: {  	v2 =	vadd.f32 v2, v62;
	_ =	sdelay $0x1  }
0xa2: {  	[tilespmem:s31+$0x1A710] =	vst v2  }
0xa3: {  	v2 =	vld.idx.msk [tilespmem:v0+s15+$0x0], $0xffff  }
0xa4: {  	v0 =	vld [tilespmem:s31+$0x30];
	_ =	sdelay $0x2  }
0xa5: {  	v3 =	vld [tilespmem:s31+$0x19720]  }
0xa6: {  	v63 =	vld [tilespmem:s31+$0x1A720]  }
0xa7: {  	vm15 =	vgt.s32 v0, $0xC300  }
0xa8: {  	vm13 =	vgt.s32 v1, $0xC2FF;
	vm14 =	vle.f32 v2, $1.000000000e+00;
	v2 =	vnsel vm15, $0xC300, v0  }
0xa9: {  	vm0 =	vmand vm13, vm14;
	v2 =	vadd.s32 $0xFFFF3D00, v2  }
0xaa: {  	v1 =	vnsel vm0, $0x0, v3  }
0xab: {  	v3 =	vadd.f32 v1, v63  }
0xac: {  	s2 =	simm.s32 $0x40;
	s0 =	sshll.u32 s29, $0x4;
	s30 =	sshll.u32 s29, $0x9  }
0xad: {  	s29 =	sand.u32 $0x70, s0;
	s30 =	sand.u32 $0xFFFF000, s30;
	s0 =	simm.s32 $0x200;
	v1 =	vld [tilespmem:s2+$0x0];
	[tilespmem:s31+$0x1A720] =	vst v3  }
.LBB2_5:
0xae: {  	p1 =	sne.s32 s0, $0x3F00;
	v2 =	vld.idx.msk [tilespmem:v2+s15+$0x0], $0xffff;
	_ =	sdelay $0x2  }
0xaf: {  	v3 =	vld [tilespmem:s31+$0x19730]  }
0xb0: {  	v4 =	vld [tilespmem:s31+$0x1A730]  }
0xb1: {  	vm0 =	vgt.s32 v1, $0xC300  }
0xb2: {  	v5 =	vnsel vm0, $0xC300, v1;
	vm0 =	vgt.s32 v0, $0xC2FF;
	vm1 =	vle.f32 v2, $1.000000000e+00  }
0xb3: {  	v0 =	vadd.s32 $0xFFFF3D00, v5;
	vm0 =	vmand vm0, vm1  }
0xb4: {  	v2 =	vnsel vm0, $0x0, v3  }
0xb5: {  	v2 =	vadd.f32 v2, v4;
	_ =	sdelay $0x1  }
0xb6: {  	v3 =	vld [tilespmem:s2+$0x10];
	[tilespmem:s31+$0x1A730] =	vst v2;
	s31 =	smov.u32 s2  }
0xb7: {  	v0 =	vld.idx.msk [tilespmem:v0+s15+$0x0], $0xffff;
	_ =	sdelay $0x2  }
0xb8: {  	v2 =	vld [tilespmem:s31+$0x19700]  }
0xb9: {  	v4 =	vld [tilespmem:s31+$0x1A700]  }
0xba: {  	vm0 =	vgt.s32 v3, $0xC300  }
0xbb: {  	vm1 =	vgt.s32 v1, $0xC2FF;
	vm2 =	vle.f32 v0, $1.000000000e+00;
	v0 =	vnsel vm0, $0xC300, v3  }
0xbc: {  	vm0 =	vmand vm1, vm2;
	v0 =	vadd.s32 $0xFFFF3D00, v0  }
0xbd: {  	v1 =	vnsel vm0, $0x0, v2  }
0xbe: {  	v1 =	vadd.f32 v1, v4;
	_ =	sdelay $0x1  }
0xbf: {  	[tilespmem:s31+$0x1A700] =	vst v1;
	v1 =	vld [tilespmem:s31+$0x20]  }
0xc0: {  	v0 =	vld.idx.msk [tilespmem:v0+s15+$0x0], $0xffff;
	_ =	sdelay $0x2  }
0xc1: {  	v2 =	vld [tilespmem:s31+$0x19710]  }
0xc2: {  	v4 =	vld [tilespmem:s31+$0x1A710]  }
0xc3: {  	vm0 =	vgt.s32 v1, $0xC300  }
0xc4: {  	vm1 =	vgt.s32 v3, $0xC2FF;
	vm2 =	vle.f32 v0, $1.000000000e+00;
	v0 =	vnsel vm0, $0xC300, v1  }
0xc5: {  	vm0 =	vmand vm1, vm2;
	v3 =	vadd.s32 $0xFFFF3D00, v0  }
0xc6: {  	v0 =	vnsel vm0, $0x0, v2  }
0xc7: {  	v0 =	vadd.f32 v0, v4;
	_ =	sdelay $0x1  }
0xc8: {  	[tilespmem:s31+$0x1A710] =	vst v0;
	v0 =	vld [tilespmem:s31+$0x30]  }
0xc9: {  	v2 =	vld.idx.msk [tilespmem:v3+s15+$0x0], $0xffff;
	_ =	sdelay $0x2  }
0xca: {  	v3 =	vld [tilespmem:s31+$0x19720]  }
0xcb: {  	v4 =	vld [tilespmem:s31+$0x1A720]  }
0xcc: {  	vm0 =	vgt.s32 v0, $0xC300  }
0xcd: {  	vm1 =	vgt.s32 v1, $0xC2FF;
	vm2 =	vle.f32 v2, $1.000000000e+00;
	v1 =	vnsel vm0, $0xC300, v0  }
.Ltmp1:
0xce: {  	vm0 =	vmand vm1, vm2;
	v2 =	vadd.s32 $0xFFFF3D00, v1;
	(pc) =	sbr.rel @p1 .LBB2_5-.Ltmp1, $4  }
0xcf: {  	v1 =	vnsel vm0, $0x0, v3  }
0xd0: {  	v3 =	vadd.f32 v1, v4  }
0xd1: {  	s2 =	sshra.s32 s0, $0x2  }
0xd2: {  	s0 =	sadd.s32 $0x100, s0;
	v1 =	vld [tilespmem:s2+$0x0];
	[tilespmem:s31+$0x1A720] =	vst v3  }
0xd3: {  	_ =	sdelay $0x3  }
0xd4: {  	v2 =	vld.idx.msk [tilespmem:v2+s15+$0x0], $0xffff;
	_ =	sdelay $0x1  }
0xd5: {  	v3 =	vld [tilespmem:s31+$0x19730]  }
0xd6: {  	v4 =	vld [tilespmem:s31+$0x1A730]  }
0xd7: {  	vm0 =	vgt.s32 v1, $0xC300  }
0xd8: {  	vm14 =	vgt.s32 v0, $0xC2FF;
	v5 =	vnsel vm0, $0xC300, v1;
	vm1 =	vle.f32 v2, $1.000000000e+00  }
0xd9: {  	v46 =	vadd.s32 $0xFFFF3D00, v5;
	vm0 =	vmand vm14, vm1  }
0xda: {  	v47 =	vnsel vm0, $0x0, v3  }
0xdb: {  	v2 =	vadd.f32 v47, v4;
	_ =	sdelay $0x1  }
0xdc: {  	v48 =	vld [tilespmem:s2+$0x10];
	[tilespmem:s31+$0x1A730] =	vst v2  }
0xdd: {  	v0 =	vld.idx.msk [tilespmem:v46+s15+$0x0], $0xffff;
	_ =	sdelay $0x1  }
0xde: {  	v2 =	vld [tilespmem:s2+$0x19700]  }
0xdf: {  	v49 =	vld [tilespmem:s2+$0x1A700]  }
0xe0: {  	vm15 =	vgt.s32 v48, $0xC300  }
0xe1: {  	vm4 =	vgt.s32 v1, $0xC2FF;
	v50 =	vnsel vm15, $0xC300, v48;
	vm2 =	vle.f32 v0, $1.000000000e+00  }
0xe2: {  	v0 =	vadd.s32 $0xFFFF3D00, v50;
	vm5 =	vmand vm4, vm2  }
0xe3: {  	v51 =	vnsel vm5, $0x0, v2  }
0xe4: {  	v1 =	vadd.f32 v51, v49;
	_ =	sdelay $0x1  }
0xe5: {  	v52 =	vld [tilespmem:s2+$0x20];
	[tilespmem:s2+$0x1A700] =	vst v1  }
0xe6: {  	v0 =	vld.idx.msk [tilespmem:v0+s15+$0x0], $0xffff;
	_ =	sdelay $0x1  }
0xe7: {  	v53 =	vld [tilespmem:s2+$0x19710]  }
0xe8: {  	v54 =	vld [tilespmem:s2+$0x1A710]  }
0xe9: {  	vm6 =	vgt.s32 v52, $0xC300  }
0xea: {  	vm7 =	vgt.s32 v48, $0xC2FF;
	v55 =	vnsel vm6, $0xC300, v52;
	vm8 =	vle.f32 v0, $1.000000000e+00  }
0xeb: {  	v0 =	vadd.s32 $0xFFFF3D00, v55;
	vm9 =	vmand vm7, vm8  }
0xec: {  	v2 =	vnsel vm9, $0x0, v53  }
0xed: {  	v2 =	vadd.f32 v2, v54;
	_ =	sdelay $0x1  }
0xee: {  	v56 =	vld [tilespmem:s2+$0x30];
	[tilespmem:s2+$0x1A710] =	vst v2  }
0xef: {  	v0 =	vld.idx.msk [tilespmem:v0+s15+$0x0], $0xffff;
	_ =	sdelay $0x1  }
0xf0: {  	v57 =	vld [tilespmem:s2+$0x19720]  }
0xf1: {  	v58 =	vld [tilespmem:s2+$0x1A720]  }
0xf2: {  	vm10 =	vgt.s32 v56, $0xC300  }
0xf3: {  	vm11 =	vgt.s32 v52, $0xC2FF;
	v59 =	vnsel vm10, $0xC300, v56;
	vm12 =	vle.f32 v0, $1.000000000e+00  }
0xf4: {  	v0 =	vadd.s32 $0xFFFF3D00, v59;
	vm13 =	vmand vm11, vm12  }
0xf5: {  	v60 =	vnsel vm13, $0x0, v57  }
0xf6: {  	v1 =	vadd.f32 v60, v58;
	_ =	sdelay $0x1  }
0xf7: {  	[tilespmem:s2+$0x1A720] =	vst v1  }
0xf8: {  	v0 =	vld.idx.msk [tilespmem:v0+s15+$0x0], $0xffff;
	_ =	sdelay $0x1  }
0xf9: {  	v61 =	vld [tilespmem:s2+$0x19730]  }
0xfa: {  	s0 =	sshrl.u32 @!p0 s28, $0x3;
	v62 =	vld [tilespmem:s2+$0x1A730]  }
0xfb: {  	s0 =	sand.u32 @!p0 $0x1, s0  }
0xfc: {  	s28 =	smul.u32 @!p0 $0xC3800, s0;
	vm14 =	vgt.s32 v56, $0xC2FF;
	vm15 =	vle.f32 v0, $1.000000000e+00  }
0xfd: {  	s26 =	sor.u32 @!p0 s25, s26;
	s24 =	sshll.u32 @!p0 s24, $0x10;
	s0 =	sshll.u32 @!p0 s0, $0xF;
	vm0 =	vmand vm14, vm15  }
0xfe: {  	s0 =	sor.u32 @!p0 s24, s0;
	s26 =	sadd.s32 @!p0 s28, s26;
	v63 =	vnsel vm0, $0x0, v61  }
0xff: {  	s0 =	sor.u32 @!p0 s25, s0;
	s26 =	sadd.s32 @!p0 $0x61800, s26;
	v0 =	vadd.f32 v63, v62  }
0x100: {  	s28 =	simm.s32 @!p0 $0x400;
	s0 =	sshrl.u32 @!p0 s0, $0x3;
	s26 =	sshrl.u32 @!p0 s26, $0x3  }
0x101: {  	s26 =	sadd.s32 @!p0 s3, s26;
	s31 =	simm.s32 @!p0 $0xD300;
	[tilespmem:s2+$0x1A730] =	vst v0;
	s2 =	simm.s32 @!p0 $0x80  }
0x102: {  	[tilespmem:s31], [sflag:$0x2] =	stream.strided.gather @!p0 [hbm4b:s26+s2], $0xC400, s28, s2, $0x38;
	[tilespmem:$0x1B700] =	vst v63  }
0x103: {  	s23 =	sadd.s32 $0x1, s23;
	s24 =	simm.s32 @!p0 $0x19700;
	s0 =	sadd.s32 @!p0 s1, s0  }
0x104: {  	[tilespmem:s24], [sflag:$0x3] =	stream.strided.gather @!p0 [hbm4b:s0+s2], $0x1000, s28, s2, $0x38;
	[tilespmem:$0x1B700] =	vst v63  }
0x105: {  	s31 =	sadd.s32 s6, s29;
	p0 =	sne.s32 s23, $0xA  }
.Ltmp2:
0x106: {  	s0 =	sadd.s32 s30, s31;
	(pc) =	sbr.rel @p0 .LBB2_2-.Ltmp2, $4  }
0x107: {  	[hbm4b:s0+s12] =	stream.strided.scatter [tilespmem:s21], [sflag:$0x4], $0x1000, s13, s12, $0x38;
	[tilespmem:$0x1B700] =	vst v63  }
0x108: {  	_ =	swait.ge [sflag:s17], $0x1000  }
0x109: {  	[sflag:s17] =	ssyncset.done $0x0  }
0x10a: {  	[sflag:s17] =	ssyncadd.s32 $0xFFFFF000  }
0x10b: {  	s22 =	sadd.s32 $0x1, s22  }
0x10c: {  	p0 =	sne.s32 s22, s11  }
.Ltmp3:
0x10d: {  	_ = 	snop;
	(pc) =	sbr.rel @p0 .LBB2_1-.Ltmp3, $1  }
0x10e: {  	_ =	sdelay $0x3  }
0x10f: {  	_ =	sfence.sel $0x180000  }
0x110: {  	[bflag:$0x0] =	sbarrier.arrive $0xFFFF  }
0x111: {  	_ =	strace $0x90000047  }
0x112: {  	s0 =	stileid.u32;
	[bflag:$0x2] =	sbarrier.arrive $0xFFFF  }
0x113: {  	p0 =	sne.s32 s0, $0x0;
	s0 =	rddreg [dreg:$0x4]  }
0x114: {  	s0 =	sadd.s32 @!p0 $0x100000, s0  }
0x115: {  	[sflag:s0] =	ssyncadd.tile.s32 @!p0 $0x1;
	_ =	shalt  }
.Lfunc_end2:
_tile_overlayer_lowered:
.L_overlay_start_2:
0x116: {  	(tag) =	ssettag $0x2  }
0x117: {  	s0 =	rddreg [dreg:$0x0];
	s2 =	stileid.u32  }
0x118: {  	s1 =	rddreg [dreg:$0x1];
	p0 =	sne.s32 s2, $0x0  }
0x119: {  	s3 =	rddreg [dreg:$0x2];
	[bflag:$0x3] =	sbarrier.arrive $0xFFFF;
	s2 =	simm.s32 @!p0 $0x1C04  }
0x11a: {  	[timem:s3], [sflag:s2] =	dma.local @!p0 [hbm:s0], s1  }
0x11b: {  	s0 =	simm.s32 @!p0 $0x4  }
0x11c: {  	_ =	swait.ge @!p0 [sflag:s0], s1  }
0x11d: {  	s1 =	ssub.s32 @!p0 $0x0, s1;
	[sflag:s0] =	ssyncset.done @!p0 $0x0  }
0x11e: {  	[sflag:s0] =	ssyncadd.s32 @!p0 s1  }
0x11f: {  	[bflag:$0x3] =	sbarrier.arrive $0xFFFF  }
0x120: {  	_ =	shalt  }

</sc_bundles>
